<compile_context>
chip_gen: v7x
topology: tpu7x:2x2x1
jax: 0.10.2.dev20260603
libtpu: 0.0.44.dev20260713+nightly
codegen_flags: <defaults>
</compile_context>

<pallas_src>
import functools

import jax
import jax.numpy as jnp
from jax import lax
from jax.experimental import pallas as pl
from jax.experimental.pallas import tpu as pltpu
from jax.experimental.pallas import tpu_sc as plsc

D_MODEL = 1024
NUM_ROWS = 4 * 8192
NUM_WORKERS = 32
ROWS_PER_WORKER = NUM_ROWS // NUM_WORKERS
CHUNK = 32
NUM_CHUNKS = ROWS_PER_WORKER // CHUNK
NBUF = 2
LANES = 16
VREGS_PER_ROW = D_MODEL // LANES
GROUP = 16

_MESH = plsc.VectorSubcoreMesh(core_axis_name="c", subcore_axis_name="s")
_GATHER_DNUMS = lax.GatherDimensionNumbers(
    offset_dims=(), collapsed_slice_dims=(0,), start_index_map=(0,))


@functools.partial(
    pl.kernel,
    mesh=_MESH,
    out_type=jax.ShapeDtypeStruct((NUM_ROWS, D_MODEL), jnp.float32),
    scratch_types=[
        pltpu.VMEM((2, D_MODEL), jnp.float32),
        pltpu.VMEM((ROWS_PER_WORKER,), jnp.int32),
        pltpu.VMEM((CHUNK * LANES,), jnp.int32),
        pltpu.VMEM((CHUNK, D_MODEL), jnp.float32),
        pltpu.VMEM((CHUNK, D_MODEL), jnp.float32),
        pltpu.SemaphoreType.DMA,
        pltpu.SemaphoreType.DMA,
        pltpu.SemaphoreType.DMA,
    ],
)
def _sc_embed(ids_hbm, table_hbm, out_hbm, table_v, ids_v, splat_v,
              buf0, buf1, s0, s1, psem):
    wid = lax.axis_index("s") * 2 + lax.axis_index("c")
    base = wid * ROWS_PER_WORKER
    bufs = (buf0, buf1)
    ssem = (s0, s1)

    c1 = pltpu.async_copy(table_hbm, table_v, psem)
    c2 = pltpu.async_copy(
        ids_hbm.at[wid // 8, pl.ds((wid % 8) * ROWS_PER_WORKER,
                                   ROWS_PER_WORKER)], ids_v, psem)
    c1.wait()
    c2.wait()

    def build_chunk(chunk_row0, buf):
        def presplat(q, carry):
            ids16 = ids_v[pl.ds(chunk_row0 + q * LANES, LANES)]
            for u in range(LANES):
                splat_v[pl.ds((q * LANES + u) * LANES, LANES)] = lax.gather(
                    ids16, jnp.full((LANES, 1), u, jnp.int32),
                    _GATHER_DNUMS, (1,),
                    mode=lax.GatherScatterMode.PROMISE_IN_BOUNDS)
            return carry

        lax.fori_loop(0, CHUNK // LANES, presplat, 0)

        def grp(g, carry):
            gbase = g * (GROUP * LANES)
            t0 = [table_v[0, pl.ds(gbase + k * LANES, LANES)]
                  for k in range(GROUP)]
            t1 = [table_v[1, pl.ds(gbase + k * LANES, LANES)]
                  for k in range(GROUP)]

            def rowblk(r, carry2):
                idv = splat_v[pl.ds(r * LANES, LANES)]
                m = idv == 0
                for k in range(GROUP):
                    buf[r, pl.ds(gbase + k * LANES, LANES)] = (
                        jnp.where(m, t0[k], t1[k]))
                return carry2

            lax.fori_loop(0, CHUNK, rowblk, 0)
            return carry

        lax.fori_loop(0, VREGS_PER_ROW // GROUP, grp, 0)

    def outer(j, carry):
        for b in range(NBUF):
            i = j * NBUF + b

            @pl.when(j > 0)
            def _drain():
                pltpu.make_async_copy(
                    bufs[b], out_hbm.at[pl.ds(0, CHUNK)], ssem[b]).wait()

            chunk_row0 = i * CHUNK
            build_chunk(chunk_row0, bufs[b])
            pltpu.async_copy(
                bufs[b], out_hbm.at[pl.ds(base + chunk_row0, CHUNK)], ssem[b])
        return carry

    lax.fori_loop(0, NUM_CHUNKS // NBUF, outer, 0)
    for b in range(NBUF):
        pltpu.make_async_copy(
            bufs[b], out_hbm.at[pl.ds(0, CHUNK)], ssem[b]).wait()


def kernel(segment_ids, table):
    out = _sc_embed(segment_ids.astype(jnp.int32), table)
    return out.reshape(segment_ids.shape + (D_MODEL,))

# --- scband reference (transcript-rebuilt; emitter-appended) ---
"""Pipeline reference for scband-segment-embedding-21715354648653 (READ-ONLY COPY).

The authoritative reference and input builder live on the scoring server;
editing this copy changes nothing except your own understanding.
"""

import jax, jax.numpy as jnp
import numpy as np

D_MODEL = 1024
NUM_SEGMENTS = 2
BATCH = 4
SEQ_LEN = 8192

def setup_inputs(seed: int = 0) -> dict:
    key = jax.random.key(seed)
    k1, k2 = jax.random.split(key)
    segment_ids = jax.random.randint(k1, (BATCH, SEQ_LEN), 0, NUM_SEGMENTS, dtype=jnp.int64 if jax.config.jax_enable_x64 else jnp.int32)
    table = jax.random.normal(k2, (NUM_SEGMENTS, D_MODEL), dtype=jnp.float32)
    return {"segment_ids": segment_ids, "table": table}

def reference(segment_ids, table):
    # nn.Embedding forward: row gather from embedding table
    return jnp.take(table, segment_ids, axis=0)

if __name__ == "__main__":
    import jax
    _d = setup_inputs()
    print(jax.jit(kernel)(*tuple(_d.values())))

</pallas_src>

<mosaic_0001>
#map = affine_map<(d0, d1) -> (0, 0)>
module attributes {stable_mosaic.version = 14 : i64} {
  func.func @_sc_embed(%arg0: i32, %arg1: i32, %arg2: memref<4x8192xi32, #tpu.memory_space<hbm>>, %arg3: memref<2x1024xf32, #tpu.memory_space<hbm>>, %arg4: memref<32768x1024xf32, #tpu.memory_space<hbm>>, %arg5: memref<2x1024xf32, #tpu.memory_space<vmem>>, %arg6: memref<1024xi32, #tpu.memory_space<vmem>>, %arg7: memref<512xi32, #tpu.memory_space<vmem>>, %arg8: memref<32x1024xf32, #tpu.memory_space<vmem>>, %arg9: memref<32x1024xf32, #tpu.memory_space<vmem>>, %arg10: memref<!tpu.dma_semaphore, #tpu.memory_space<semaphore_mem>>, %arg11: memref<!tpu.dma_semaphore, #tpu.memory_space<semaphore_mem>>, %arg12: memref<!tpu.dma_semaphore, #tpu.memory_space<semaphore_mem>>) attributes {dimension_semantics = [#tpu.dimension_semantics<core_parallel>, #tpu.dimension_semantics<subcore_parallel>], iteration_bounds = array<i64: 2, 16>, scalar_prefetch = 0 : i64, scratch_operands = 8 : i64, tpu.core_type = #tpu.core_type<sc_vector_subcore>, window_params = [{transform_indices = #map}, {transform_indices = #map}, {transform_indices = #map}]} {
    %mul3A = arith.constant 2 : i32
    %mul3A_0 = arith.muli %arg1, %mul3A : i32
    %add3A = arith.addi %mul3A_0, %arg0 : i32
    %mul3A_1 = arith.constant 1024 : i32
    %mul3A_2 = arith.muli %add3A, %mul3A_1 : i32
    tpu.enqueue_dma source(%arg3 : memref<2x1024xf32, #tpu.memory_space<hbm>>) target(%arg5 : memref<2x1024xf32, #tpu.memory_space<vmem>>) target_semaphore(%arg12 : memref<!tpu.dma_semaphore, #tpu.memory_space<semaphore_mem>>)
    %jit3A = arith.constant 8 : i32
    %div3A = arith.divsi %add3A, %jit3A : i32
    %sign3A = arith.constant 0 : i32
    %sign3A_3 = arith.cmpi sgt, %add3A, %sign3A : i32
    %sign3A_4 = arith.extui %sign3A_3 : i1 to i32
    %sign3A_5 = arith.constant 0 : i32
    %sign3A_6 = arith.cmpi slt, %add3A, %sign3A_5 : i32
    %sign3A_7 = arith.extui %sign3A_6 : i1 to i32
    %sign3A_8 = arith.subi %sign3A_4, %sign3A_7 : i32
    %sign3A_9 = arith.constant 0 : i32
    %sign3A_10 = arith.cmpi sgt, %jit3A, %sign3A_9 : i32
    %sign3A_11 = arith.extui %sign3A_10 : i1 to i32
    %sign3A_12 = arith.constant 0 : i32
    %sign3A_13 = arith.cmpi slt, %jit3A, %sign3A_12 : i32
    %sign3A_14 = arith.extui %sign3A_13 : i1 to i32
    %sign3A_15 = arith.subi %sign3A_11, %sign3A_14 : i32
    %ne3A = arith.cmpi ne, %sign3A_8, %sign3A_15 : i32
    %rem3A = arith.remsi %add3A, %jit3A : i32
    %ne3A_16 = arith.constant 0 : i32
    %ne3A_17 = arith.cmpi ne, %rem3A, %ne3A_16 : i32
    %and3A = arith.andi %ne3A, %ne3A_17 : i1
    %sub3A = arith.constant 1 : i32
    %sub3A_18 = arith.subi %div3A, %sub3A : i32
    %select_n3A = arith.select %and3A, %sub3A_18, %div3A : i32
    %jit3A_19 = arith.constant 8 : i32
    %eq3A = arith.constant 0 : i32
    %eq3A_20 = arith.cmpi eq, %jit3A_19, %eq3A : i32
    %jit3A_21 = arith.constant 1 : i32
    %select_n3A_22 = arith.select %eq3A_20, %jit3A_21, %jit3A_19 : i32
    %rem3A_23 = arith.remsi %add3A, %select_n3A_22 : i32
    %ne3A_24 = arith.constant 0 : i32
    %ne3A_25 = arith.cmpi ne, %rem3A_23, %ne3A_24 : i32
    %lt3A = arith.constant 0 : i32
    %lt3A_26 = arith.cmpi slt, %rem3A_23, %lt3A : i32
    %lt3A_27 = arith.constant 0 : i32
    %lt3A_28 = arith.cmpi slt, %select_n3A_22, %lt3A_27 : i32
    %ne3A_29 = arith.xori %lt3A_26, %lt3A_28 : i1
    %and3A_30 = arith.andi %ne3A_29, %ne3A_25 : i1
    %add3A_31 = arith.addi %rem3A_23, %select_n3A_22 : i32
    %select_n3A_32 = arith.select %and3A_30, %add3A_31, %rem3A_23 : i32
    %mul3A_33 = arith.constant 1024 : i32
    %mul3A_34 = arith.muli %select_n3A_32, %mul3A_33 : i32
    %dma_start3A = tpu.memref_slice %arg2[%select_n3A, %mul3A_34] : memref<4x8192xi32, #tpu.memory_space<hbm>> -> memref<1x1024xi32, #tpu.memory_space<hbm>>
    %dma_start3A_35 = tpu.memref_squeeze %dma_start3A : memref<1x1024xi32, #tpu.memory_space<hbm>> -> memref<1024xi32, #tpu.memory_space<hbm>>
    %dma_start3A_36 = tpu.memref_slice %arg2[%select_n3A, %mul3A_34] : memref<4x8192xi32, #tpu.memory_space<hbm>> -> memref<1x1024xi32, #tpu.memory_space<hbm>>
    %dma_start3A_37 = tpu.memref_squeeze %dma_start3A_36 : memref<1x1024xi32, #tpu.memory_space<hbm>> -> memref<1024xi32, #tpu.memory_space<hbm>>
    tpu.enqueue_dma source(%dma_start3A_37 : memref<1024xi32, #tpu.memory_space<hbm>>) target(%arg6 : memref<1024xi32, #tpu.memory_space<vmem>>) target_semaphore(%arg12 : memref<!tpu.dma_semaphore, #tpu.memory_space<semaphore_mem>>)
    tpu.wait_dma2 semaphore(%arg12 : memref<!tpu.dma_semaphore, #tpu.memory_space<semaphore_mem>>) src(%arg3 : memref<2x1024xf32, #tpu.memory_space<hbm>>) dst(%arg5 : memref<2x1024xf32, #tpu.memory_space<vmem>>)
    %dma_wait3A = tpu.memref_slice %arg2[%select_n3A, %mul3A_34] : memref<4x8192xi32, #tpu.memory_space<hbm>> -> memref<1x1024xi32, #tpu.memory_space<hbm>>
    %dma_wait3A_38 = tpu.memref_squeeze %dma_wait3A : memref<1x1024xi32, #tpu.memory_space<hbm>> -> memref<1024xi32, #tpu.memory_space<hbm>>
    %dma_wait3A_39 = tpu.memref_slice %arg2[%select_n3A, %mul3A_34] : memref<4x8192xi32, #tpu.memory_space<hbm>> -> memref<1x1024xi32, #tpu.memory_space<hbm>>
    %dma_wait3A_40 = tpu.memref_squeeze %dma_wait3A_39 : memref<1x1024xi32, #tpu.memory_space<hbm>> -> memref<1024xi32, #tpu.memory_space<hbm>>
    tpu.wait_dma2 semaphore(%arg12 : memref<!tpu.dma_semaphore, #tpu.memory_space<semaphore_mem>>) src(%dma_wait3A_40 : memref<1024xi32, #tpu.memory_space<hbm>>) dst(%arg6 : memref<1024xi32, #tpu.memory_space<vmem>>)
    %scan3A = arith.constant 0 : i32
    %scan3A_41 = arith.constant 0 : i32
    %scan3A_42 = arith.constant 16 : i32
    %scan3A_43 = arith.addi %scan3A_41, %scan3A_42 : i32
    %scan3A_44 = arith.constant 1 : i32
    scf.for %scan3A_58 = %scan3A_41 to %scan3A_43 step %scan3A_44  : i32 {
      %mul3A_59 = arith.constant 2 : i32
      %mul3A_60 = arith.muli %scan3A_58, %mul3A_59 : i32
      %add3A_61 = arith.constant 0 : i32
      %add3A_62 = arith.addi %mul3A_60, %add3A_61 : i32
      %gt3A = arith.constant 0 : i32
      %gt3A_63 = arith.cmpi sgt, %scan3A_58, %gt3A : i32
      %convert_element_type3A = arith.extui %gt3A_63 : i1 to i32
      %cond3A = arith.constant 0 : i32
      %cond3A_64 = arith.cmpi ne, %convert_element_type3A, %cond3A : i32
      scf.if %cond3A_64 {
        %dma_wait3A_112 = arith.constant 0 : i32
        %dma_wait3A_113 = arith.constant 0 : i32
        %dma_wait3A_114 = tpu.memref_slice %arg4[%dma_wait3A_112, %dma_wait3A_113] : memref<32768x1024xf32, #tpu.memory_space<hbm>> -> memref<32x1024xf32, #tpu.memory_space<hbm>>
        %dma_wait3A_115 = arith.constant 0 : i32
        %dma_wait3A_116 = arith.constant 0 : i32
        %dma_wait3A_117 = tpu.memref_slice %arg4[%dma_wait3A_115, %dma_wait3A_116] : memref<32768x1024xf32, #tpu.memory_space<hbm>> -> memref<32x1024xf32, #tpu.memory_space<hbm>>
        tpu.wait_dma2 semaphore(%arg10 : memref<!tpu.dma_semaphore, #tpu.memory_space<semaphore_mem>>) src(%arg8 : memref<32x1024xf32, #tpu.memory_space<vmem>>) dst(%dma_wait3A_117 : memref<32x1024xf32, #tpu.memory_space<hbm>>)
      } else {
      }
      %mul3A_65 = arith.constant 32 : i32
      %mul3A_66 = arith.muli %add3A_62, %mul3A_65 : i32
      %scan3A_67 = arith.constant 0 : i32
      %scan3A_68 = arith.constant 0 : i32
      %scan3A_69 = arith.constant 2 : i32
      %scan3A_70 = arith.addi %scan3A_68, %scan3A_69 : i32
      %scan3A_71 = arith.constant 1 : i32
      scf.for %scan3A_112 = %scan3A_68 to %scan3A_70 step %scan3A_71  : i32 {
        %mul3A_113 = arith.constant 16 : i32
        %mul3A_114 = arith.muli %scan3A_112, %mul3A_113 : i32
        %add3A_115 = arith.addi %mul3A_66, %mul3A_114 : i32
        %get3A = arith.index_cast %add3A_115 : i32 to index
        %get3A_116 = tpu.vector_load %arg6[%get3A] {strides = array<i32>} : memref<1024xi32, #tpu.memory_space<vmem>>, vector<16xi32>,
        %get3A_117 = vector.shape_cast %get3A_116 : vector<16xi32> to vector<16xi32>
        %broadcast_in_dim3A = arith.constant 0 : i32
        %broadcast_in_dim3A_118 = vector.broadcast %broadcast_in_dim3A : i32 to vector<16x1xi32>
        %gather3A = vector.shape_cast %broadcast_in_dim3A_118 : vector<16x1xi32> to vector<16xi32>
        %gather3A_119 = tpu.dynamic_gather %get3A_117[%gather3A] in [0] : vector<16xi32>, vector<16xi32> -> vector<16xi32>
        %mul3A_120 = arith.constant 16 : i32
        %mul3A_121 = arith.muli %scan3A_112, %mul3A_120 : i32
        %add3A_122 = arith.constant 0 : i32
        %add3A_123 = arith.addi %mul3A_121, %add3A_122 : i32
        %mul3A_124 = arith.constant 16 : i32
        %mul3A_125 = arith.muli %add3A_123, %mul3A_124 : i32
        %swap3A = arith.index_cast %mul3A_125 : i32 to index
        %swap3A_126 = tpu.vector_load %arg7[%swap3A] {strides = array<i32>} : memref<512xi32, #tpu.memory_space<vmem>>, vector<16xi32>,
        %swap3A_127 = vector.shape_cast %swap3A_126 : vector<16xi32> to vector<16xi32>
        %swap3A_128 = vector.shape_cast %gather3A_119 : vector<16xi32> to vector<16xi32>
        tpu.vector_store %arg7[%swap3A], %swap3A_128 {strides = array<i32>} : memref<512xi32, #tpu.memory_space<vmem>>, vector<16xi32>,
        %broadcast_in_dim3A_129 = arith.constant 1 : i32
        %broadcast_in_dim3A_130 = vector.broadcast %broadcast_in_dim3A_129 : i32 to vector<16x1xi32>
        %gather3A_131 = vector.shape_cast %broadcast_in_dim3A_130 : vector<16x1xi32> to vector<16xi32>
        %gather3A_132 = tpu.dynamic_gather %get3A_117[%gather3A_131] in [0] : vector<16xi32>, vector<16xi32> -> vector<16xi32>
        %mul3A_133 = arith.constant 16 : i32
        %mul3A_134 = arith.muli %scan3A_112, %mul3A_133 : i32
        %add3A_135 = arith.constant 1 : i32
        %add3A_136 = arith.addi %mul3A_134, %add3A_135 : i32
        %mul3A_137 = arith.constant 16 : i32
        %mul3A_138 = arith.muli %add3A_136, %mul3A_137 : i32
        %swap3A_139 = arith.index_cast %mul3A_138 : i32 to index
        %swap3A_140 = tpu.vector_load %arg7[%swap3A_139] {strides = array<i32>} : memref<512xi32, #tpu.memory_space<vmem>>, vector<16xi32>,
        %swap3A_141 = vector.shape_cast %swap3A_140 : vector<16xi32> to vector<16xi32>
        %swap3A_142 = vector.shape_cast %gather3A_132 : vector<16xi32> to vector<16xi32>
        tpu.vector_store %arg7[%swap3A_139], %swap3A_142 {strides = array<i32>} : memref<512xi32, #tpu.memory_space<vmem>>, vector<16xi32>,
        %broadcast_in_dim3A_143 = arith.constant 2 : i32
        %broadcast_in_dim3A_144 = vector.broadcast %broadcast_in_dim3A_143 : i32 to vector<16x1xi32>
        %gather3A_145 = vector.shape_cast %broadcast_in_dim3A_144 : vector<16x1xi32> to vector<16xi32>
        %gather3A_146 = tpu.dynamic_gather %get3A_117[%gather3A_145] in [0] : vector<16xi32>, vector<16xi32> -> vector<16xi32>
        %mul3A_147 = arith.constant 16 : i32
        %mul3A_148 = arith.muli %scan3A_112, %mul3A_147 : i32
        %add3A_149 = arith.constant 2 : i32
        %add3A_150 = arith.addi %mul3A_148, %add3A_149 : i32
        %mul3A_151 = arith.constant 16 : i32
        %mul3A_152 = arith.muli %add3A_150, %mul3A_151 : i32
        %swap3A_153 = arith.index_cast %mul3A_152 : i32 to index
        %swap3A_154 = tpu.vector_load %arg7[%swap3A_153] {strides = array<i32>} : memref<512xi32, #tpu.memory_space<vmem>>, vector<16xi32>,
        %swap3A_155 = vector.shape_cast %swap3A_154 : vector<16xi32> to vector<16xi32>
        %swap3A_156 = vector.shape_cast %gather3A_146 : vector<16xi32> to vector<16xi32>
        tpu.vector_store %arg7[%swap3A_153], %swap3A_156 {strides = array<i32>} : memref<512xi32, #tpu.memory_space<vmem>>, vector<16xi32>,
        %broadcast_in_dim3A_157 = arith.constant 3 : i32
        %broadcast_in_dim3A_158 = vector.broadcast %broadcast_in_dim3A_157 : i32 to vector<16x1xi32>
        %gather3A_159 = vector.shape_cast %broadcast_in_dim3A_158 : vector<16x1xi32> to vector<16xi32>
        %gather3A_160 = tpu.dynamic_gather %get3A_117[%gather3A_159] in [0] : vector<16xi32>, vector<16xi32> -> vector<16xi32>
        %mul3A_161 = arith.constant 16 : i32
        %mul3A_162 = arith.muli %scan3A_112, %mul3A_161 : i32
        %add3A_163 = arith.constant 3 : i32
        %add3A_164 = arith.addi %mul3A_162, %add3A_163 : i32
        %mul3A_165 = arith.constant 16 : i32
        %mul3A_166 = arith.muli %add3A_164, %mul3A_165 : i32
        %swap3A_167 = arith.index_cast %mul3A_166 : i32 to index
        %swap3A_168 = tpu.vector_load %arg7[%swap3A_167] {strides = array<i32>} : memref<512xi32, #tpu.memory_space<vmem>>, vector<16xi32>,
        %swap3A_169 = vector.shape_cast %swap3A_168 : vector<16xi32> to vector<16xi32>
        %swap3A_170 = vector.shape_cast %gather3A_160 : vector<16xi32> to vector<16xi32>
        tpu.vector_store %arg7[%swap3A_167], %swap3A_170 {strides = array<i32>} : memref<512xi32, #tpu.memory_space<vmem>>, vector<16xi32>,
        %broadcast_in_dim3A_171 = arith.constant 4 : i32
        %broadcast_in_dim3A_172 = vector.broadcast %broadcast_in_dim3A_171 : i32 to vector<16x1xi32>
        %gather3A_173 = vector.shape_cast %broadcast_in_dim3A_172 : vector<16x1xi32> to vector<16xi32>
        %gather3A_174 = tpu.dynamic_gather %get3A_117[%gather3A_173] in [0] : vector<16xi32>, vector<16xi32> -> vector<16xi32>
        %mul3A_175 = arith.constant 16 : i32
        %mul3A_176 = arith.muli %scan3A_112, %mul3A_175 : i32
        %add3A_177 = arith.constant 4 : i32
        %add3A_178 = arith.addi %mul3A_176, %add3A_177 : i32
        %mul3A_179 = arith.constant 16 : i32
        %mul3A_180 = arith.muli %add3A_178, %mul3A_179 : i32
        %swap3A_181 = arith.index_cast %mul3A_180 : i32 to index
        %swap3A_182 = tpu.vector_load %arg7[%swap3A_181] {strides = array<i32>} : memref<512xi32, #tpu.memory_space<vmem>>, vector<16xi32>,
        %swap3A_183 = vector.shape_cast %swap3A_182 : vector<16xi32> to vector<16xi32>
        %swap3A_184 = vector.shape_cast %gather3A_174 : vector<16xi32> to vector<16xi32>
        tpu.vector_store %arg7[%swap3A_181], %swap3A_184 {strides = array<i32>} : memref<512xi32, #tpu.memory_space<vmem>>, vector<16xi32>,
        %broadcast_in_dim3A_185 = arith.constant 5 : i32
        %broadcast_in_dim3A_186 = vector.broadcast %broadcast_in_dim3A_185 : i32 to vector<16x1xi32>
        %gather3A_187 = vector.shape_cast %broadcast_in_dim3A_186 : vector<16x1xi32> to vector<16xi32>
        %gather3A_188 = tpu.dynamic_gather %get3A_117[%gather3A_187] in [0] : vector<16xi32>, vector<16xi32> -> vector<16xi32>
        %mul3A_189 = arith.constant 16 : i32
        %mul3A_190 = arith.muli %scan3A_112, %mul3A_189 : i32
        %add3A_191 = arith.constant 5 : i32
        %add3A_192 = arith.addi %mul3A_190, %add3A_191 : i32
        %mul3A_193 = arith.constant 16 : i32
        %mul3A_194 = arith.muli %add3A_192, %mul3A_193 : i32
        %swap3A_195 = arith.index_cast %mul3A_194 : i32 to index
        %swap3A_196 = tpu.vector_load %arg7[%swap3A_195] {strides = array<i32>} : memref<512xi32, #tpu.memory_space<vmem>>, vector<16xi32>,
        %swap3A_197 = vector.shape_cast %swap3A_196 : vector<16xi32> to vector<16xi32>
        %swap3A_198 = vector.shape_cast %gather3A_188 : vector<16xi32> to vector<16xi32>
        tpu.vector_store %arg7[%swap3A_195], %swap3A_198 {strides = array<i32>} : memref<512xi32, #tpu.memory_space<vmem>>, vector<16xi32>,
        %broadcast_in_dim3A_199 = arith.constant 6 : i32
        %broadcast_in_dim3A_200 = vector.broadcast %broadcast_in_dim3A_199 : i32 to vector<16x1xi32>
        %gather3A_201 = vector.shape_cast %broadcast_in_dim3A_200 : vector<16x1xi32> to vector<16xi32>
        %gather3A_202 = tpu.dynamic_gather %get3A_117[%gather3A_201] in [0] : vector<16xi32>, vector<16xi32> -> vector<16xi32>
        %mul3A_203 = arith.constant 16 : i32
        %mul3A_204 = arith.muli %scan3A_112, %mul3A_203 : i32
        %add3A_205 = arith.constant 6 : i32
        %add3A_206 = arith.addi %mul3A_204, %add3A_205 : i32
        %mul3A_207 = arith.constant 16 : i32
        %mul3A_208 = arith.muli %add3A_206, %mul3A_207 : i32
        %swap3A_209 = arith.index_cast %mul3A_208 : i32 to index
        %swap3A_210 = tpu.vector_load %arg7[%swap3A_209] {strides = array<i32>} : memref<512xi32, #tpu.memory_space<vmem>>, vector<16xi32>,
        %swap3A_211 = vector.shape_cast %swap3A_210 : vector<16xi32> to vector<16xi32>
        %swap3A_212 = vector.shape_cast %gather3A_202 : vector<16xi32> to vector<16xi32>
        tpu.vector_store %arg7[%swap3A_209], %swap3A_212 {strides = array<i32>} : memref<512xi32, #tpu.memory_space<vmem>>, vector<16xi32>,
        %broadcast_in_dim3A_213 = arith.constant 7 : i32
        %broadcast_in_dim3A_214 = vector.broadcast %broadcast_in_dim3A_213 : i32 to vector<16x1xi32>
        %gather3A_215 = vector.shape_cast %broadcast_in_dim3A_214 : vector<16x1xi32> to vector<16xi32>
        %gather3A_216 = tpu.dynamic_gather %get3A_117[%gather3A_215] in [0] : vector<16xi32>, vector<16xi32> -> vector<16xi32>
        %mul3A_217 = arith.constant 16 : i32
        %mul3A_218 = arith.muli %scan3A_112, %mul3A_217 : i32
        %add3A_219 = arith.constant 7 : i32
        %add3A_220 = arith.addi %mul3A_218, %add3A_219 : i32
        %mul3A_221 = arith.constant 16 : i32
        %mul3A_222 = arith.muli %add3A_220, %mul3A_221 : i32
        %swap3A_223 = arith.index_cast %mul3A_222 : i32 to index
        %swap3A_224 = tpu.vector_load %arg7[%swap3A_223] {strides = array<i32>} : memref<512xi32, #tpu.memory_space<vmem>>, vector<16xi32>,
        %swap3A_225 = vector.shape_cast %swap3A_224 : vector<16xi32> to vector<16xi32>
        %swap3A_226 = vector.shape_cast %gather3A_216 : vector<16xi32> to vector<16xi32>
        tpu.vector_store %arg7[%swap3A_223], %swap3A_226 {strides = array<i32>} : memref<512xi32, #tpu.memory_space<vmem>>, vector<16xi32>,
        %broadcast_in_dim3A_227 = arith.constant 8 : i32
        %broadcast_in_dim3A_228 = vector.broadcast %broadcast_in_dim3A_227 : i32 to vector<16x1xi32>
        %gather3A_229 = vector.shape_cast %broadcast_in_dim3A_228 : vector<16x1xi32> to vector<16xi32>
        %gather3A_230 = tpu.dynamic_gather %get3A_117[%gather3A_229] in [0] : vector<16xi32>, vector<16xi32> -> vector<16xi32>
        %mul3A_231 = arith.constant 16 : i32
        %mul3A_232 = arith.muli %scan3A_112, %mul3A_231 : i32
        %add3A_233 = arith.constant 8 : i32
        %add3A_234 = arith.addi %mul3A_232, %add3A_233 : i32
        %mul3A_235 = arith.constant 16 : i32
        %mul3A_236 = arith.muli %add3A_234, %mul3A_235 : i32
        %swap3A_237 = arith.index_cast %mul3A_236 : i32 to index
        %swap3A_238 = tpu.vector_load %arg7[%swap3A_237] {strides = array<i32>} : memref<512xi32, #tpu.memory_space<vmem>>, vector<16xi32>,
        %swap3A_239 = vector.shape_cast %swap3A_238 : vector<16xi32> to vector<16xi32>
        %swap3A_240 = vector.shape_cast %gather3A_230 : vector<16xi32> to vector<16xi32>
        tpu.vector_store %arg7[%swap3A_237], %swap3A_240 {strides = array<i32>} : memref<512xi32, #tpu.memory_space<vmem>>, vector<16xi32>,
        %broadcast_in_dim3A_241 = arith.constant 9 : i32
        %broadcast_in_dim3A_242 = vector.broadcast %broadcast_in_dim3A_241 : i32 to vector<16x1xi32>
        %gather3A_243 = vector.shape_cast %broadcast_in_dim3A_242 : vector<16x1xi32> to vector<16xi32>
        %gather3A_244 = tpu.dynamic_gather %get3A_117[%gather3A_243] in [0] : vector<16xi32>, vector<16xi32> -> vector<16xi32>
        %mul3A_245 = arith.constant 16 : i32
        %mul3A_246 = arith.muli %scan3A_112, %mul3A_245 : i32
        %add3A_247 = arith.constant 9 : i32
        %add3A_248 = arith.addi %mul3A_246, %add3A_247 : i32
        %mul3A_249 = arith.constant 16 : i32
        %mul3A_250 = arith.muli %add3A_248, %mul3A_249 : i32
        %swap3A_251 = arith.index_cast %mul3A_250 : i32 to index
        %swap3A_252 = tpu.vector_load %arg7[%swap3A_251] {strides = array<i32>} : memref<512xi32, #tpu.memory_space<vmem>>, vector<16xi32>,
        %swap3A_253 = vector.shape_cast %swap3A_252 : vector<16xi32> to vector<16xi32>
        %swap3A_254 = vector.shape_cast %gather3A_244 : vector<16xi32> to vector<16xi32>
        tpu.vector_store %arg7[%swap3A_251], %swap3A_254 {strides = array<i32>} : memref<512xi32, #tpu.memory_space<vmem>>, vector<16xi32>,
        %broadcast_in_dim3A_255 = arith.constant 10 : i32
        %broadcast_in_dim3A_256 = vector.broadcast %broadcast_in_dim3A_255 : i32 to vector<16x1xi32>
        %gather3A_257 = vector.shape_cast %broadcast_in_dim3A_256 : vector<16x1xi32> to vector<16xi32>
        %gather3A_258 = tpu.dynamic_gather %get3A_117[%gather3A_257] in [0] : vector<16xi32>, vector<16xi32> -> vector<16xi32>
        %mul3A_259 = arith.constant 16 : i32
        %mul3A_260 = arith.muli %scan3A_112, %mul3A_259 : i32
        %add3A_261 = arith.constant 10 : i32
        %add3A_262 = arith.addi %mul3A_260, %add3A_261 : i32
        %mul3A_263 = arith.constant 16 : i32
        %mul3A_264 = arith.muli %add3A_262, %mul3A_263 : i32
        %swap3A_265 = arith.index_cast %mul3A_264 : i32 to index
        %swap3A_266 = tpu.vector_load %arg7[%swap3A_265] {strides = array<i32>} : memref<512xi32, #tpu.memory_space<vmem>>, vector<16xi32>,
        %swap3A_267 = vector.shape_cast %swap3A_266 : vector<16xi32> to vector<16xi32>
        %swap3A_268 = vector.shape_cast %gather3A_258 : vector<16xi32> to vector<16xi32>
        tpu.vector_store %arg7[%swap3A_265], %swap3A_268 {strides = array<i32>} : memref<512xi32, #tpu.memory_space<vmem>>, vector<16xi32>,
        %broadcast_in_dim3A_269 = arith.constant 11 : i32
        %broadcast_in_dim3A_270 = vector.broadcast %broadcast_in_dim3A_269 : i32 to vector<16x1xi32>
        %gather3A_271 = vector.shape_cast %broadcast_in_dim3A_270 : vector<16x1xi32> to vector<16xi32>
        %gather3A_272 = tpu.dynamic_gather %get3A_117[%gather3A_271] in [0] : vector<16xi32>, vector<16xi32> -> vector<16xi32>
        %mul3A_273 = arith.constant 16 : i32
        %mul3A_274 = arith.muli %scan3A_112, %mul3A_273 : i32
        %add3A_275 = arith.constant 11 : i32
        %add3A_276 = arith.addi %mul3A_274, %add3A_275 : i32
        %mul3A_277 = arith.constant 16 : i32
        %mul3A_278 = arith.muli %add3A_276, %mul3A_277 : i32
        %swap3A_279 = arith.index_cast %mul3A_278 : i32 to index
        %swap3A_280 = tpu.vector_load %arg7[%swap3A_279] {strides = array<i32>} : memref<512xi32, #tpu.memory_space<vmem>>, vector<16xi32>,
        %swap3A_281 = vector.shape_cast %swap3A_280 : vector<16xi32> to vector<16xi32>
        %swap3A_282 = vector.shape_cast %gather3A_272 : vector<16xi32> to vector<16xi32>
        tpu.vector_store %arg7[%swap3A_279], %swap3A_282 {strides = array<i32>} : memref<512xi32, #tpu.memory_space<vmem>>, vector<16xi32>,
        %broadcast_in_dim3A_283 = arith.constant 12 : i32
        %broadcast_in_dim3A_284 = vector.broadcast %broadcast_in_dim3A_283 : i32 to vector<16x1xi32>
        %gather3A_285 = vector.shape_cast %broadcast_in_dim3A_284 : vector<16x1xi32> to vector<16xi32>
        %gather3A_286 = tpu.dynamic_gather %get3A_117[%gather3A_285] in [0] : vector<16xi32>, vector<16xi32> -> vector<16xi32>
        %mul3A_287 = arith.constant 16 : i32
        %mul3A_288 = arith.muli %scan3A_112, %mul3A_287 : i32
        %add3A_289 = arith.constant 12 : i32
        %add3A_290 = arith.addi %mul3A_288, %add3A_289 : i32
        %mul3A_291 = arith.constant 16 : i32
        %mul3A_292 = arith.muli %add3A_290, %mul3A_291 : i32
        %swap3A_293 = arith.index_cast %mul3A_292 : i32 to index
        %swap3A_294 = tpu.vector_load %arg7[%swap3A_293] {strides = array<i32>} : memref<512xi32, #tpu.memory_space<vmem>>, vector<16xi32>,
        %swap3A_295 = vector.shape_cast %swap3A_294 : vector<16xi32> to vector<16xi32>
        %swap3A_296 = vector.shape_cast %gather3A_286 : vector<16xi32> to vector<16xi32>
        tpu.vector_store %arg7[%swap3A_293], %swap3A_296 {strides = array<i32>} : memref<512xi32, #tpu.memory_space<vmem>>, vector<16xi32>,
        %broadcast_in_dim3A_297 = arith.constant 13 : i32
        %broadcast_in_dim3A_298 = vector.broadcast %broadcast_in_dim3A_297 : i32 to vector<16x1xi32>
        %gather3A_299 = vector.shape_cast %broadcast_in_dim3A_298 : vector<16x1xi32> to vector<16xi32>
        %gather3A_300 = tpu.dynamic_gather %get3A_117[%gather3A_299] in [0] : vector<16xi32>, vector<16xi32> -> vector<16xi32>
        %mul3A_301 = arith.constant 16 : i32
        %mul3A_302 = arith.muli %scan3A_112, %mul3A_301 : i32
        %add3A_303 = arith.constant 13 : i32
        %add3A_304 = arith.addi %mul3A_302, %add3A_303 : i32
        %mul3A_305 = arith.constant 16 : i32
        %mul3A_306 = arith.muli %add3A_304, %mul3A_305 : i32
        %swap3A_307 = arith.index_cast %mul3A_306 : i32 to index
        %swap3A_308 = tpu.vector_load %arg7[%swap3A_307] {strides = array<i32>} : memref<512xi32, #tpu.memory_space<vmem>>, vector<16xi32>,
        %swap3A_309 = vector.shape_cast %swap3A_308 : vector<16xi32> to vector<16xi32>
        %swap3A_310 = vector.shape_cast %gather3A_300 : vector<16xi32> to vector<16xi32>
        tpu.vector_store %arg7[%swap3A_307], %swap3A_310 {strides = array<i32>} : memref<512xi32, #tpu.memory_space<vmem>>, vector<16xi32>,
        %broadcast_in_dim3A_311 = arith.constant 14 : i32
        %broadcast_in_dim3A_312 = vector.broadcast %broadcast_in_dim3A_311 : i32 to vector<16x1xi32>
        %gather3A_313 = vector.shape_cast %broadcast_in_dim3A_312 : vector<16x1xi32> to vector<16xi32>
        %gather3A_314 = tpu.dynamic_gather %get3A_117[%gather3A_313] in [0] : vector<16xi32>, vector<16xi32> -> vector<16xi32>
        %mul3A_315 = arith.constant 16 : i32
        %mul3A_316 = arith.muli %scan3A_112, %mul3A_315 : i32
        %add3A_317 = arith.constant 14 : i32
        %add3A_318 = arith.addi %mul3A_316, %add3A_317 : i32
        %mul3A_319 = arith.constant 16 : i32
        %mul3A_320 = arith.muli %add3A_318, %mul3A_319 : i32
        %swap3A_321 = arith.index_cast %mul3A_320 : i32 to index
        %swap3A_322 = tpu.vector_load %arg7[%swap3A_321] {strides = array<i32>} : memref<512xi32, #tpu.memory_space<vmem>>, vector<16xi32>,
        %swap3A_323 = vector.shape_cast %swap3A_322 : vector<16xi32> to vector<16xi32>
        %swap3A_324 = vector.shape_cast %gather3A_314 : vector<16xi32> to vector<16xi32>
        tpu.vector_store %arg7[%swap3A_321], %swap3A_324 {strides = array<i32>} : memref<512xi32, #tpu.memory_space<vmem>>, vector<16xi32>,
        %broadcast_in_dim3A_325 = arith.constant 15 : i32
        %broadcast_in_dim3A_326 = vector.broadcast %broadcast_in_dim3A_325 : i32 to vector<16x1xi32>
        %gather3A_327 = vector.shape_cast %broadcast_in_dim3A_326 : vector<16x1xi32> to vector<16xi32>
        %gather3A_328 = tpu.dynamic_gather %get3A_117[%gather3A_327] in [0] : vector<16xi32>, vector<16xi32> -> vector<16xi32>
        %mul3A_329 = arith.constant 16 : i32
        %mul3A_330 = arith.muli %scan3A_112, %mul3A_329 : i32
        %add3A_331 = arith.constant 15 : i32
        %add3A_332 = arith.addi %mul3A_330, %add3A_331 : i32
        %mul3A_333 = arith.constant 16 : i32
        %mul3A_334 = arith.muli %add3A_332, %mul3A_333 : i32
        %swap3A_335 = arith.index_cast %mul3A_334 : i32 to index
        %swap3A_336 = tpu.vector_load %arg7[%swap3A_335] {strides = array<i32>} : memref<512xi32, #tpu.memory_space<vmem>>, vector<16xi32>,
        %swap3A_337 = vector.shape_cast %swap3A_336 : vector<16xi32> to vector<16xi32>
        %swap3A_338 = vector.shape_cast %gather3A_328 : vector<16xi32> to vector<16xi32>
        tpu.vector_store %arg7[%swap3A_335], %swap3A_338 {strides = array<i32>} : memref<512xi32, #tpu.memory_space<vmem>>, vector<16xi32>,
      }
      %scan3A_72 = arith.constant 2 : i32
      %scan3A_73 = arith.constant 0 : i32
      %scan3A_74 = arith.constant 0 : i32
      %scan3A_75 = arith.constant 4 : i32
      %scan3A_76 = arith.addi %scan3A_74, %scan3A_75 : i32
      %scan3A_77 = arith.constant 1 : i32
      scf.for %scan3A_112 = %scan3A_74 to %scan3A_76 step %scan3A_77  : i32 {
        %mul3A_113 = arith.constant 256 : i32
        %mul3A_114 = arith.muli %scan3A_112, %mul3A_113 : i32
        %add3A_115 = arith.constant 0 : i32
        %add3A_116 = arith.addi %mul3A_114, %add3A_115 : i32
        %get3A = arith.constant 0 : i32
        %get3A_117 = arith.index_cast %get3A : i32 to index
        %get3A_118 = arith.index_cast %add3A_116 : i32 to index
        %get3A_119 = tpu.vector_load %arg5[%get3A_117, %get3A_118] {strides = array<i32>} : memref<2x1024xf32, #tpu.memory_space<vmem>>, vector<1x16xf32>,
        %get3A_120 = vector.shape_cast %get3A_119 : vector<1x16xf32> to vector<16xf32>
        %add3A_121 = arith.constant 16 : i32
        %add3A_122 = arith.addi %mul3A_114, %add3A_121 : i32
        %get3A_123 = arith.constant 0 : i32
        %get3A_124 = arith.index_cast %get3A_123 : i32 to index
        %get3A_125 = arith.index_cast %add3A_122 : i32 to index
        %get3A_126 = tpu.vector_load %arg5[%get3A_124, %get3A_125] {strides = array<i32>} : memref<2x1024xf32, #tpu.memory_space<vmem>>, vector<1x16xf32>,
        %get3A_127 = vector.shape_cast %get3A_126 : vector<1x16xf32> to vector<16xf32>
        %add3A_128 = arith.constant 32 : i32
        %add3A_129 = arith.addi %mul3A_114, %add3A_128 : i32
        %get3A_130 = arith.constant 0 : i32
        %get3A_131 = arith.index_cast %get3A_130 : i32 to index
        %get3A_132 = arith.index_cast %add3A_129 : i32 to index
        %get3A_133 = tpu.vector_load %arg5[%get3A_131, %get3A_132] {strides = array<i32>} : memref<2x1024xf32, #tpu.memory_space<vmem>>, vector<1x16xf32>,
        %get3A_134 = vector.shape_cast %get3A_133 : vector<1x16xf32> to vector<16xf32>
        %add3A_135 = arith.constant 48 : i32
        %add3A_136 = arith.addi %mul3A_114, %add3A_135 : i32
        %get3A_137 = arith.constant 0 : i32
        %get3A_138 = arith.index_cast %get3A_137 : i32 to index
        %get3A_139 = arith.index_cast %add3A_136 : i32 to index
        %get3A_140 = tpu.vector_load %arg5[%get3A_138, %get3A_139] {strides = array<i32>} : memref<2x1024xf32, #tpu.memory_space<vmem>>, vector<1x16xf32>,
        %get3A_141 = vector.shape_cast %get3A_140 : vector<1x16xf32> to vector<16xf32>
        %add3A_142 = arith.constant 64 : i32
        %add3A_143 = arith.addi %mul3A_114, %add3A_142 : i32
        %get3A_144 = arith.constant 0 : i32
        %get3A_145 = arith.index_cast %get3A_144 : i32 to index
        %get3A_146 = arith.index_cast %add3A_143 : i32 to index
        %get3A_147 = tpu.vector_load %arg5[%get3A_145, %get3A_146] {strides = array<i32>} : memref<2x1024xf32, #tpu.memory_space<vmem>>, vector<1x16xf32>,
        %get3A_148 = vector.shape_cast %get3A_147 : vector<1x16xf32> to vector<16xf32>
        %add3A_149 = arith.constant 80 : i32
        %add3A_150 = arith.addi %mul3A_114, %add3A_149 : i32
        %get3A_151 = arith.constant 0 : i32
        %get3A_152 = arith.index_cast %get3A_151 : i32 to index
        %get3A_153 = arith.index_cast %add3A_150 : i32 to index
        %get3A_154 = tpu.vector_load %arg5[%get3A_152, %get3A_153] {strides = array<i32>} : memref<2x1024xf32, #tpu.memory_space<vmem>>, vector<1x16xf32>,
        %get3A_155 = vector.shape_cast %get3A_154 : vector<1x16xf32> to vector<16xf32>
        %add3A_156 = arith.constant 96 : i32
        %add3A_157 = arith.addi %mul3A_114, %add3A_156 : i32
        %get3A_158 = arith.constant 0 : i32
        %get3A_159 = arith.index_cast %get3A_158 : i32 to index
        %get3A_160 = arith.index_cast %add3A_157 : i32 to index
        %get3A_161 = tpu.vector_load %arg5[%get3A_159, %get3A_160] {strides = array<i32>} : memref<2x1024xf32, #tpu.memory_space<vmem>>, vector<1x16xf32>,
        %get3A_162 = vector.shape_cast %get3A_161 : vector<1x16xf32> to vector<16xf32>
        %add3A_163 = arith.constant 112 : i32
        %add3A_164 = arith.addi %mul3A_114, %add3A_163 : i32
        %get3A_165 = arith.constant 0 : i32
        %get3A_166 = arith.index_cast %get3A_165 : i32 to index
        %get3A_167 = arith.index_cast %add3A_164 : i32 to index
        %get3A_168 = tpu.vector_load %arg5[%get3A_166, %get3A_167] {strides = array<i32>} : memref<2x1024xf32, #tpu.memory_space<vmem>>, vector<1x16xf32>,
        %get3A_169 = vector.shape_cast %get3A_168 : vector<1x16xf32> to vector<16xf32>
        %add3A_170 = arith.constant 128 : i32
        %add3A_171 = arith.addi %mul3A_114, %add3A_170 : i32
        %get3A_172 = arith.constant 0 : i32
        %get3A_173 = arith.index_cast %get3A_172 : i32 to index
        %get3A_174 = arith.index_cast %add3A_171 : i32 to index
        %get3A_175 = tpu.vector_load %arg5[%get3A_173, %get3A_174] {strides = array<i32>} : memref<2x1024xf32, #tpu.memory_space<vmem>>, vector<1x16xf32>,
        %get3A_176 = vector.shape_cast %get3A_175 : vector<1x16xf32> to vector<16xf32>
        %add3A_177 = arith.constant 144 : i32
        %add3A_178 = arith.addi %mul3A_114, %add3A_177 : i32
        %get3A_179 = arith.constant 0 : i32
        %get3A_180 = arith.index_cast %get3A_179 : i32 to index
        %get3A_181 = arith.index_cast %add3A_178 : i32 to index
        %get3A_182 = tpu.vector_load %arg5[%get3A_180, %get3A_181] {strides = array<i32>} : memref<2x1024xf32, #tpu.memory_space<vmem>>, vector<1x16xf32>,
        %get3A_183 = vector.shape_cast %get3A_182 : vector<1x16xf32> to vector<16xf32>
        %add3A_184 = arith.constant 160 : i32
        %add3A_185 = arith.addi %mul3A_114, %add3A_184 : i32
        %get3A_186 = arith.constant 0 : i32
        %get3A_187 = arith.index_cast %get3A_186 : i32 to index
        %get3A_188 = arith.index_cast %add3A_185 : i32 to index
        %get3A_189 = tpu.vector_load %arg5[%get3A_187, %get3A_188] {strides = array<i32>} : memref<2x1024xf32, #tpu.memory_space<vmem>>, vector<1x16xf32>,
        %get3A_190 = vector.shape_cast %get3A_189 : vector<1x16xf32> to vector<16xf32>
        %add3A_191 = arith.constant 176 : i32
        %add3A_192 = arith.addi %mul3A_114, %add3A_191 : i32
        %get3A_193 = arith.constant 0 : i32
        %get3A_194 = arith.index_cast %get3A_193 : i32 to index
        %get3A_195 = arith.index_cast %add3A_192 : i32 to index
        %get3A_196 = tpu.vector_load %arg5[%get3A_194, %get3A_195] {strides = array<i32>} : memref<2x1024xf32, #tpu.memory_space<vmem>>, vector<1x16xf32>,
        %get3A_197 = vector.shape_cast %get3A_196 : vector<1x16xf32> to vector<16xf32>
        %add3A_198 = arith.constant 192 : i32
        %add3A_199 = arith.addi %mul3A_114, %add3A_198 : i32
        %get3A_200 = arith.constant 0 : i32
        %get3A_201 = arith.index_cast %get3A_200 : i32 to index
        %get3A_202 = arith.index_cast %add3A_199 : i32 to index
        %get3A_203 = tpu.vector_load %arg5[%get3A_201, %get3A_202] {strides = array<i32>} : memref<2x1024xf32, #tpu.memory_space<vmem>>, vector<1x16xf32>,
        %get3A_204 = vector.shape_cast %get3A_203 : vector<1x16xf32> to vector<16xf32>
        %add3A_205 = arith.constant 208 : i32
        %add3A_206 = arith.addi %mul3A_114, %add3A_205 : i32
        %get3A_207 = arith.constant 0 : i32
        %get3A_208 = arith.index_cast %get3A_207 : i32 to index
        %get3A_209 = arith.index_cast %add3A_206 : i32 to index
        %get3A_210 = tpu.vector_load %arg5[%get3A_208, %get3A_209] {strides = array<i32>} : memref<2x1024xf32, #tpu.memory_space<vmem>>, vector<1x16xf32>,
        %get3A_211 = vector.shape_cast %get3A_210 : vector<1x16xf32> to vector<16xf32>
        %add3A_212 = arith.constant 224 : i32
        %add3A_213 = arith.addi %mul3A_114, %add3A_212 : i32
        %get3A_214 = arith.constant 0 : i32
        %get3A_215 = arith.index_cast %get3A_214 : i32 to index
        %get3A_216 = arith.index_cast %add3A_213 : i32 to index
        %get3A_217 = tpu.vector_load %arg5[%get3A_215, %get3A_216] {strides = array<i32>} : memref<2x1024xf32, #tpu.memory_space<vmem>>, vector<1x16xf32>,
        %get3A_218 = vector.shape_cast %get3A_217 : vector<1x16xf32> to vector<16xf32>
        %add3A_219 = arith.constant 240 : i32
        %add3A_220 = arith.addi %mul3A_114, %add3A_219 : i32
        %get3A_221 = arith.constant 0 : i32
        %get3A_222 = arith.index_cast %get3A_221 : i32 to index
        %get3A_223 = arith.index_cast %add3A_220 : i32 to index
        %get3A_224 = tpu.vector_load %arg5[%get3A_222, %get3A_223] {strides = array<i32>} : memref<2x1024xf32, #tpu.memory_space<vmem>>, vector<1x16xf32>,
        %get3A_225 = vector.shape_cast %get3A_224 : vector<1x16xf32> to vector<16xf32>
        %add3A_226 = arith.constant 0 : i32
        %add3A_227 = arith.addi %mul3A_114, %add3A_226 : i32
        %get3A_228 = arith.constant 1 : i32
        %get3A_229 = arith.index_cast %get3A_228 : i32 to index
        %get3A_230 = arith.index_cast %add3A_227 : i32 to index
        %get3A_231 = tpu.vector_load %arg5[%get3A_229, %get3A_230] {strides = array<i32>} : memref<2x1024xf32, #tpu.memory_space<vmem>>, vector<1x16xf32>,
        %get3A_232 = vector.shape_cast %get3A_231 : vector<1x16xf32> to vector<16xf32>
        %add3A_233 = arith.constant 16 : i32
        %add3A_234 = arith.addi %mul3A_114, %add3A_233 : i32
        %get3A_235 = arith.constant 1 : i32
        %get3A_236 = arith.index_cast %get3A_235 : i32 to index
        %get3A_237 = arith.index_cast %add3A_234 : i32 to index
        %get3A_238 = tpu.vector_load %arg5[%get3A_236, %get3A_237] {strides = array<i32>} : memref<2x1024xf32, #tpu.memory_space<vmem>>, vector<1x16xf32>,
        %get3A_239 = vector.shape_cast %get3A_238 : vector<1x16xf32> to vector<16xf32>
        %add3A_240 = arith.constant 32 : i32
        %add3A_241 = arith.addi %mul3A_114, %add3A_240 : i32
        %get3A_242 = arith.constant 1 : i32
        %get3A_243 = arith.index_cast %get3A_242 : i32 to index
        %get3A_244 = arith.index_cast %add3A_241 : i32 to index
        %get3A_245 = tpu.vector_load %arg5[%get3A_243, %get3A_244] {strides = array<i32>} : memref<2x1024xf32, #tpu.memory_space<vmem>>, vector<1x16xf32>,
        %get3A_246 = vector.shape_cast %get3A_245 : vector<1x16xf32> to vector<16xf32>
        %add3A_247 = arith.constant 48 : i32
        %add3A_248 = arith.addi %mul3A_114, %add3A_247 : i32
        %get3A_249 = arith.constant 1 : i32
        %get3A_250 = arith.index_cast %get3A_249 : i32 to index
        %get3A_251 = arith.index_cast %add3A_248 : i32 to index
        %get3A_252 = tpu.vector_load %arg5[%get3A_250, %get3A_251] {strides = array<i32>} : memref<2x1024xf32, #tpu.memory_space<vmem>>, vector<1x16xf32>,
        %get3A_253 = vector.shape_cast %get3A_252 : vector<1x16xf32> to vector<16xf32>
        %add3A_254 = arith.constant 64 : i32
        %add3A_255 = arith.addi %mul3A_114, %add3A_254 : i32
        %get3A_256 = arith.constant 1 : i32
        %get3A_257 = arith.index_cast %get3A_256 : i32 to index
        %get3A_258 = arith.index_cast %add3A_255 : i32 to index
        %get3A_259 = tpu.vector_load %arg5[%get3A_257, %get3A_258] {strides = array<i32>} : memref<2x1024xf32, #tpu.memory_space<vmem>>, vector<1x16xf32>,
        %get3A_260 = vector.shape_cast %get3A_259 : vector<1x16xf32> to vector<16xf32>
        %add3A_261 = arith.constant 80 : i32
        %add3A_262 = arith.addi %mul3A_114, %add3A_261 : i32
        %get3A_263 = arith.constant 1 : i32
        %get3A_264 = arith.index_cast %get3A_263 : i32 to index
        %get3A_265 = arith.index_cast %add3A_262 : i32 to index
        %get3A_266 = tpu.vector_load %arg5[%get3A_264, %get3A_265] {strides = array<i32>} : memref<2x1024xf32, #tpu.memory_space<vmem>>, vector<1x16xf32>,
        %get3A_267 = vector.shape_cast %get3A_266 : vector<1x16xf32> to vector<16xf32>
        %add3A_268 = arith.constant 96 : i32
        %add3A_269 = arith.addi %mul3A_114, %add3A_268 : i32
        %get3A_270 = arith.constant 1 : i32
        %get3A_271 = arith.index_cast %get3A_270 : i32 to index
        %get3A_272 = arith.index_cast %add3A_269 : i32 to index
        %get3A_273 = tpu.vector_load %arg5[%get3A_271, %get3A_272] {strides = array<i32>} : memref<2x1024xf32, #tpu.memory_space<vmem>>, vector<1x16xf32>,
        %get3A_274 = vector.shape_cast %get3A_273 : vector<1x16xf32> to vector<16xf32>
        %add3A_275 = arith.constant 112 : i32
        %add3A_276 = arith.addi %mul3A_114, %add3A_275 : i32
        %get3A_277 = arith.constant 1 : i32
        %get3A_278 = arith.index_cast %get3A_277 : i32 to index
        %get3A_279 = arith.index_cast %add3A_276 : i32 to index
        %get3A_280 = tpu.vector_load %arg5[%get3A_278, %get3A_279] {strides = array<i32>} : memref<2x1024xf32, #tpu.memory_space<vmem>>, vector<1x16xf32>,
        %get3A_281 = vector.shape_cast %get3A_280 : vector<1x16xf32> to vector<16xf32>
        %add3A_282 = arith.constant 128 : i32
        %add3A_283 = arith.addi %mul3A_114, %add3A_282 : i32
        %get3A_284 = arith.constant 1 : i32
        %get3A_285 = arith.index_cast %get3A_284 : i32 to index
        %get3A_286 = arith.index_cast %add3A_283 : i32 to index
        %get3A_287 = tpu.vector_load %arg5[%get3A_285, %get3A_286] {strides = array<i32>} : memref<2x1024xf32, #tpu.memory_space<vmem>>, vector<1x16xf32>,
        %get3A_288 = vector.shape_cast %get3A_287 : vector<1x16xf32> to vector<16xf32>
        %add3A_289 = arith.constant 144 : i32
        %add3A_290 = arith.addi %mul3A_114, %add3A_289 : i32
        %get3A_291 = arith.constant 1 : i32
        %get3A_292 = arith.index_cast %get3A_291 : i32 to index
        %get3A_293 = arith.index_cast %add3A_290 : i32 to index
        %get3A_294 = tpu.vector_load %arg5[%get3A_292, %get3A_293] {strides = array<i32>} : memref<2x1024xf32, #tpu.memory_space<vmem>>, vector<1x16xf32>,
        %get3A_295 = vector.shape_cast %get3A_294 : vector<1x16xf32> to vector<16xf32>
        %add3A_296 = arith.constant 160 : i32
        %add3A_297 = arith.addi %mul3A_114, %add3A_296 : i32
        %get3A_298 = arith.constant 1 : i32
        %get3A_299 = arith.index_cast %get3A_298 : i32 to index
        %get3A_300 = arith.index_cast %add3A_297 : i32 to index
        %get3A_301 = tpu.vector_load %arg5[%get3A_299, %get3A_300] {strides = array<i32>} : memref<2x1024xf32, #tpu.memory_space<vmem>>, vector<1x16xf32>,
        %get3A_302 = vector.shape_cast %get3A_301 : vector<1x16xf32> to vector<16xf32>
        %add3A_303 = arith.constant 176 : i32
        %add3A_304 = arith.addi %mul3A_114, %add3A_303 : i32
        %get3A_305 = arith.constant 1 : i32
        %get3A_306 = arith.index_cast %get3A_305 : i32 to index
        %get3A_307 = arith.index_cast %add3A_304 : i32 to index
        %get3A_308 = tpu.vector_load %arg5[%get3A_306, %get3A_307] {strides = array<i32>} : memref<2x1024xf32, #tpu.memory_space<vmem>>, vector<1x16xf32>,
        %get3A_309 = vector.shape_cast %get3A_308 : vector<1x16xf32> to vector<16xf32>
        %add3A_310 = arith.constant 192 : i32
        %add3A_311 = arith.addi %mul3A_114, %add3A_310 : i32
        %get3A_312 = arith.constant 1 : i32
        %get3A_313 = arith.index_cast %get3A_312 : i32 to index
        %get3A_314 = arith.index_cast %add3A_311 : i32 to index
        %get3A_315 = tpu.vector_load %arg5[%get3A_313, %get3A_314] {strides = array<i32>} : memref<2x1024xf32, #tpu.memory_space<vmem>>, vector<1x16xf32>,
        %get3A_316 = vector.shape_cast %get3A_315 : vector<1x16xf32> to vector<16xf32>
        %add3A_317 = arith.constant 208 : i32
        %add3A_318 = arith.addi %mul3A_114, %add3A_317 : i32
        %get3A_319 = arith.constant 1 : i32
        %get3A_320 = arith.index_cast %get3A_319 : i32 to index
        %get3A_321 = arith.index_cast %add3A_318 : i32 to index
        %get3A_322 = tpu.vector_load %arg5[%get3A_320, %get3A_321] {strides = array<i32>} : memref<2x1024xf32, #tpu.memory_space<vmem>>, vector<1x16xf32>,
        %get3A_323 = vector.shape_cast %get3A_322 : vector<1x16xf32> to vector<16xf32>
        %add3A_324 = arith.constant 224 : i32
        %add3A_325 = arith.addi %mul3A_114, %add3A_324 : i32
        %get3A_326 = arith.constant 1 : i32
        %get3A_327 = arith.index_cast %get3A_326 : i32 to index
        %get3A_328 = arith.index_cast %add3A_325 : i32 to index
        %get3A_329 = tpu.vector_load %arg5[%get3A_327, %get3A_328] {strides = array<i32>} : memref<2x1024xf32, #tpu.memory_space<vmem>>, vector<1x16xf32>,
        %get3A_330 = vector.shape_cast %get3A_329 : vector<1x16xf32> to vector<16xf32>
        %add3A_331 = arith.constant 240 : i32
        %add3A_332 = arith.addi %mul3A_114, %add3A_331 : i32
        %get3A_333 = arith.constant 1 : i32
        %get3A_334 = arith.index_cast %get3A_333 : i32 to index
        %get3A_335 = arith.index_cast %add3A_332 : i32 to index
        %get3A_336 = tpu.vector_load %arg5[%get3A_334, %get3A_335] {strides = array<i32>} : memref<2x1024xf32, #tpu.memory_space<vmem>>, vector<1x16xf32>,
        %get3A_337 = vector.shape_cast %get3A_336 : vector<1x16xf32> to vector<16xf32>
        %scan3A_338 = arith.constant 0 : i32
        %scan3A_339 = arith.constant 0 : i32
        %scan3A_340 = arith.constant 32 : i32
        %scan3A_341 = arith.addi %scan3A_339, %scan3A_340 : i32
        %scan3A_342 = arith.constant 1 : i32
        scf.for %scan3A_344 = %scan3A_339 to %scan3A_341 step %scan3A_342  : i32 {
          %mul3A_345 = arith.constant 16 : i32
          %mul3A_346 = arith.muli %scan3A_344, %mul3A_345 : i32
          %get3A_347 = arith.index_cast %mul3A_346 : i32 to index
          %get3A_348 = tpu.vector_load %arg7[%get3A_347] {strides = array<i32>} : memref<512xi32, #tpu.memory_space<vmem>>, vector<16xi32>,
          %get3A_349 = vector.shape_cast %get3A_348 : vector<16xi32> to vector<16xi32>
          %eq3A_350 = arith.constant 0 : i32
          %eq3A_351 = vector.broadcast %eq3A_350 : i32 to vector<16xi32>
          %eq3A_352 = arith.cmpi eq, %get3A_349, %eq3A_351 : vector<16xi32>
          %select_n3A_353 = arith.select %eq3A_352, %get3A_120, %get3A_232 : vector<16xi1>, vector<16xf32>
          %add3A_354 = arith.constant 0 : i32
          %add3A_355 = arith.addi %mul3A_114, %add3A_354 : i32
          %swap3A = arith.index_cast %scan3A_344 : i32 to index
          %swap3A_356 = arith.index_cast %add3A_355 : i32 to index
          %swap3A_357 = tpu.vector_load %arg8[%swap3A, %swap3A_356] {strides = array<i32>} : memref<32x1024xf32, #tpu.memory_space<vmem>>, vector<1x16xf32>,
          %swap3A_358 = vector.shape_cast %swap3A_357 : vector<1x16xf32> to vector<16xf32>
          %swap3A_359 = vector.shape_cast %select_n3A_353 : vector<16xf32> to vector<1x16xf32>
          tpu.vector_store %arg8[%swap3A, %swap3A_356], %swap3A_359 {strides = array<i32>} : memref<32x1024xf32, #tpu.memory_space<vmem>>, vector<1x16xf32>,
          %select_n3A_360 = arith.select %eq3A_352, %get3A_127, %get3A_239 : vector<16xi1>, vector<16xf32>
          %add3A_361 = arith.constant 16 : i32
          %add3A_362 = arith.addi %mul3A_114, %add3A_361 : i32
          %swap3A_363 = arith.index_cast %scan3A_344 : i32 to index
          %swap3A_364 = arith.index_cast %add3A_362 : i32 to index
          %swap3A_365 = tpu.vector_load %arg8[%swap3A_363, %swap3A_364] {strides = array<i32>} : memref<32x1024xf32, #tpu.memory_space<vmem>>, vector<1x16xf32>,
          %swap3A_366 = vector.shape_cast %swap3A_365 : vector<1x16xf32> to vector<16xf32>
          %swap3A_367 = vector.shape_cast %select_n3A_360 : vector<16xf32> to vector<1x16xf32>
          tpu.vector_store %arg8[%swap3A_363, %swap3A_364], %swap3A_367 {strides = array<i32>} : memref<32x1024xf32, #tpu.memory_space<vmem>>, vector<1x16xf32>,
          %select_n3A_368 = arith.select %eq3A_352, %get3A_134, %get3A_246 : vector<16xi1>, vector<16xf32>
          %add3A_369 = arith.constant 32 : i32
          %add3A_370 = arith.addi %mul3A_114, %add3A_369 : i32
          %swap3A_371 = arith.index_cast %scan3A_344 : i32 to index
          %swap3A_372 = arith.index_cast %add3A_370 : i32 to index
          %swap3A_373 = tpu.vector_load %arg8[%swap3A_371, %swap3A_372] {strides = array<i32>} : memref<32x1024xf32, #tpu.memory_space<vmem>>, vector<1x16xf32>,
          %swap3A_374 = vector.shape_cast %swap3A_373 : vector<1x16xf32> to vector<16xf32>
          %swap3A_375 = vector.shape_cast %select_n3A_368 : vector<16xf32> to vector<1x16xf32>
          tpu.vector_store %arg8[%swap3A_371, %swap3A_372], %swap3A_375 {strides = array<i32>} : memref<32x1024xf32, #tpu.memory_space<vmem>>, vector<1x16xf32>,
          %select_n3A_376 = arith.select %eq3A_352, %get3A_141, %get3A_253 : vector<16xi1>, vector<16xf32>
          %add3A_377 = arith.constant 48 : i32
          %add3A_378 = arith.addi %mul3A_114, %add3A_377 : i32
          %swap3A_379 = arith.index_cast %scan3A_344 : i32 to index
          %swap3A_380 = arith.index_cast %add3A_378 : i32 to index
          %swap3A_381 = tpu.vector_load %arg8[%swap3A_379, %swap3A_380] {strides = array<i32>} : memref<32x1024xf32, #tpu.memory_space<vmem>>, vector<1x16xf32>,
          %swap3A_382 = vector.shape_cast %swap3A_381 : vector<1x16xf32> to vector<16xf32>
          %swap3A_383 = vector.shape_cast %select_n3A_376 : vector<16xf32> to vector<1x16xf32>
          tpu.vector_store %arg8[%swap3A_379, %swap3A_380], %swap3A_383 {strides = array<i32>} : memref<32x1024xf32, #tpu.memory_space<vmem>>, vector<1x16xf32>,
          %select_n3A_384 = arith.select %eq3A_352, %get3A_148, %get3A_260 : vector<16xi1>, vector<16xf32>
          %add3A_385 = arith.constant 64 : i32
          %add3A_386 = arith.addi %mul3A_114, %add3A_385 : i32
          %swap3A_387 = arith.index_cast %scan3A_344 : i32 to index
          %swap3A_388 = arith.index_cast %add3A_386 : i32 to index
          %swap3A_389 = tpu.vector_load %arg8[%swap3A_387, %swap3A_388] {strides = array<i32>} : memref<32x1024xf32, #tpu.memory_space<vmem>>, vector<1x16xf32>,
          %swap3A_390 = vector.shape_cast %swap3A_389 : vector<1x16xf32> to vector<16xf32>
          %swap3A_391 = vector.shape_cast %select_n3A_384 : vector<16xf32> to vector<1x16xf32>
          tpu.vector_store %arg8[%swap3A_387, %swap3A_388], %swap3A_391 {strides = array<i32>} : memref<32x1024xf32, #tpu.memory_space<vmem>>, vector<1x16xf32>,
          %select_n3A_392 = arith.select %eq3A_352, %get3A_155, %get3A_267 : vector<16xi1>, vector<16xf32>
          %add3A_393 = arith.constant 80 : i32
          %add3A_394 = arith.addi %mul3A_114, %add3A_393 : i32
          %swap3A_395 = arith.index_cast %scan3A_344 : i32 to index
          %swap3A_396 = arith.index_cast %add3A_394 : i32 to index
          %swap3A_397 = tpu.vector_load %arg8[%swap3A_395, %swap3A_396] {strides = array<i32>} : memref<32x1024xf32, #tpu.memory_space<vmem>>, vector<1x16xf32>,
          %swap3A_398 = vector.shape_cast %swap3A_397 : vector<1x16xf32> to vector<16xf32>
          %swap3A_399 = vector.shape_cast %select_n3A_392 : vector<16xf32> to vector<1x16xf32>
          tpu.vector_store %arg8[%swap3A_395, %swap3A_396], %swap3A_399 {strides = array<i32>} : memref<32x1024xf32, #tpu.memory_space<vmem>>, vector<1x16xf32>,
          %select_n3A_400 = arith.select %eq3A_352, %get3A_162, %get3A_274 : vector<16xi1>, vector<16xf32>
          %add3A_401 = arith.constant 96 : i32
          %add3A_402 = arith.addi %mul3A_114, %add3A_401 : i32
          %swap3A_403 = arith.index_cast %scan3A_344 : i32 to index
          %swap3A_404 = arith.index_cast %add3A_402 : i32 to index
          %swap3A_405 = tpu.vector_load %arg8[%swap3A_403, %swap3A_404] {strides = array<i32>} : memref<32x1024xf32, #tpu.memory_space<vmem>>, vector<1x16xf32>,
          %swap3A_406 = vector.shape_cast %swap3A_405 : vector<1x16xf32> to vector<16xf32>
          %swap3A_407 = vector.shape_cast %select_n3A_400 : vector<16xf32> to vector<1x16xf32>
          tpu.vector_store %arg8[%swap3A_403, %swap3A_404], %swap3A_407 {strides = array<i32>} : memref<32x1024xf32, #tpu.memory_space<vmem>>, vector<1x16xf32>,
          %select_n3A_408 = arith.select %eq3A_352, %get3A_169, %get3A_281 : vector<16xi1>, vector<16xf32>
          %add3A_409 = arith.constant 112 : i32
          %add3A_410 = arith.addi %mul3A_114, %add3A_409 : i32
          %swap3A_411 = arith.index_cast %scan3A_344 : i32 to index
          %swap3A_412 = arith.index_cast %add3A_410 : i32 to index
          %swap3A_413 = tpu.vector_load %arg8[%swap3A_411, %swap3A_412] {strides = array<i32>} : memref<32x1024xf32, #tpu.memory_space<vmem>>, vector<1x16xf32>,
          %swap3A_414 = vector.shape_cast %swap3A_413 : vector<1x16xf32> to vector<16xf32>
          %swap3A_415 = vector.shape_cast %select_n3A_408 : vector<16xf32> to vector<1x16xf32>
          tpu.vector_store %arg8[%swap3A_411, %swap3A_412], %swap3A_415 {strides = array<i32>} : memref<32x1024xf32, #tpu.memory_space<vmem>>, vector<1x16xf32>,
          %select_n3A_416 = arith.select %eq3A_352, %get3A_176, %get3A_288 : vector<16xi1>, vector<16xf32>
          %add3A_417 = arith.constant 128 : i32
          %add3A_418 = arith.addi %mul3A_114, %add3A_417 : i32
          %swap3A_419 = arith.index_cast %scan3A_344 : i32 to index
          %swap3A_420 = arith.index_cast %add3A_418 : i32 to index
          %swap3A_421 = tpu.vector_load %arg8[%swap3A_419, %swap3A_420] {strides = array<i32>} : memref<32x1024xf32, #tpu.memory_space<vmem>>, vector<1x16xf32>,
          %swap3A_422 = vector.shape_cast %swap3A_421 : vector<1x16xf32> to vector<16xf32>
          %swap3A_423 = vector.shape_cast %select_n3A_416 : vector<16xf32> to vector<1x16xf32>
          tpu.vector_store %arg8[%swap3A_419, %swap3A_420], %swap3A_423 {strides = array<i32>} : memref<32x1024xf32, #tpu.memory_space<vmem>>, vector<1x16xf32>,
          %select_n3A_424 = arith.select %eq3A_352, %get3A_183, %get3A_295 : vector<16xi1>, vector<16xf32>
          %add3A_425 = arith.constant 144 : i32
          %add3A_426 = arith.addi %mul3A_114, %add3A_425 : i32
          %swap3A_427 = arith.index_cast %scan3A_344 : i32 to index
          %swap3A_428 = arith.index_cast %add3A_426 : i32 to index
          %swap3A_429 = tpu.vector_load %arg8[%swap3A_427, %swap3A_428] {strides = array<i32>} : memref<32x1024xf32, #tpu.memory_space<vmem>>, vector<1x16xf32>,
          %swap3A_430 = vector.shape_cast %swap3A_429 : vector<1x16xf32> to vector<16xf32>
          %swap3A_431 = vector.shape_cast %select_n3A_424 : vector<16xf32> to vector<1x16xf32>
          tpu.vector_store %arg8[%swap3A_427, %swap3A_428], %swap3A_431 {strides = array<i32>} : memref<32x1024xf32, #tpu.memory_space<vmem>>, vector<1x16xf32>,
          %select_n3A_432 = arith.select %eq3A_352, %get3A_190, %get3A_302 : vector<16xi1>, vector<16xf32>
          %add3A_433 = arith.constant 160 : i32
          %add3A_434 = arith.addi %mul3A_114, %add3A_433 : i32
          %swap3A_435 = arith.index_cast %scan3A_344 : i32 to index
          %swap3A_436 = arith.index_cast %add3A_434 : i32 to index
          %swap3A_437 = tpu.vector_load %arg8[%swap3A_435, %swap3A_436] {strides = array<i32>} : memref<32x1024xf32, #tpu.memory_space<vmem>>, vector<1x16xf32>,
          %swap3A_438 = vector.shape_cast %swap3A_437 : vector<1x16xf32> to vector<16xf32>
          %swap3A_439 = vector.shape_cast %select_n3A_432 : vector<16xf32> to vector<1x16xf32>
          tpu.vector_store %arg8[%swap3A_435, %swap3A_436], %swap3A_439 {strides = array<i32>} : memref<32x1024xf32, #tpu.memory_space<vmem>>, vector<1x16xf32>,
          %select_n3A_440 = arith.select %eq3A_352, %get3A_197, %get3A_309 : vector<16xi1>, vector<16xf32>
          %add3A_441 = arith.constant 176 : i32
          %add3A_442 = arith.addi %mul3A_114, %add3A_441 : i32
          %swap3A_443 = arith.index_cast %scan3A_344 : i32 to index
          %swap3A_444 = arith.index_cast %add3A_442 : i32 to index
          %swap3A_445 = tpu.vector_load %arg8[%swap3A_443, %swap3A_444] {strides = array<i32>} : memref<32x1024xf32, #tpu.memory_space<vmem>>, vector<1x16xf32>,
          %swap3A_446 = vector.shape_cast %swap3A_445 : vector<1x16xf32> to vector<16xf32>
          %swap3A_447 = vector.shape_cast %select_n3A_440 : vector<16xf32> to vector<1x16xf32>
          tpu.vector_store %arg8[%swap3A_443, %swap3A_444], %swap3A_447 {strides = array<i32>} : memref<32x1024xf32, #tpu.memory_space<vmem>>, vector<1x16xf32>,
          %select_n3A_448 = arith.select %eq3A_352, %get3A_204, %get3A_316 : vector<16xi1>, vector<16xf32>
          %add3A_449 = arith.constant 192 : i32
          %add3A_450 = arith.addi %mul3A_114, %add3A_449 : i32
          %swap3A_451 = arith.index_cast %scan3A_344 : i32 to index
          %swap3A_452 = arith.index_cast %add3A_450 : i32 to index
          %swap3A_453 = tpu.vector_load %arg8[%swap3A_451, %swap3A_452] {strides = array<i32>} : memref<32x1024xf32, #tpu.memory_space<vmem>>, vector<1x16xf32>,
          %swap3A_454 = vector.shape_cast %swap3A_453 : vector<1x16xf32> to vector<16xf32>
          %swap3A_455 = vector.shape_cast %select_n3A_448 : vector<16xf32> to vector<1x16xf32>
          tpu.vector_store %arg8[%swap3A_451, %swap3A_452], %swap3A_455 {strides = array<i32>} : memref<32x1024xf32, #tpu.memory_space<vmem>>, vector<1x16xf32>,
          %select_n3A_456 = arith.select %eq3A_352, %get3A_211, %get3A_323 : vector<16xi1>, vector<16xf32>
          %add3A_457 = arith.constant 208 : i32
          %add3A_458 = arith.addi %mul3A_114, %add3A_457 : i32
          %swap3A_459 = arith.index_cast %scan3A_344 : i32 to index
          %swap3A_460 = arith.index_cast %add3A_458 : i32 to index
          %swap3A_461 = tpu.vector_load %arg8[%swap3A_459, %swap3A_460] {strides = array<i32>} : memref<32x1024xf32, #tpu.memory_space<vmem>>, vector<1x16xf32>,
          %swap3A_462 = vector.shape_cast %swap3A_461 : vector<1x16xf32> to vector<16xf32>
          %swap3A_463 = vector.shape_cast %select_n3A_456 : vector<16xf32> to vector<1x16xf32>
          tpu.vector_store %arg8[%swap3A_459, %swap3A_460], %swap3A_463 {strides = array<i32>} : memref<32x1024xf32, #tpu.memory_space<vmem>>, vector<1x16xf32>,
          %select_n3A_464 = arith.select %eq3A_352, %get3A_218, %get3A_330 : vector<16xi1>, vector<16xf32>
          %add3A_465 = arith.constant 224 : i32
          %add3A_466 = arith.addi %mul3A_114, %add3A_465 : i32
          %swap3A_467 = arith.index_cast %scan3A_344 : i32 to index
          %swap3A_468 = arith.index_cast %add3A_466 : i32 to index
          %swap3A_469 = tpu.vector_load %arg8[%swap3A_467, %swap3A_468] {strides = array<i32>} : memref<32x1024xf32, #tpu.memory_space<vmem>>, vector<1x16xf32>,
          %swap3A_470 = vector.shape_cast %swap3A_469 : vector<1x16xf32> to vector<16xf32>
          %swap3A_471 = vector.shape_cast %select_n3A_464 : vector<16xf32> to vector<1x16xf32>
          tpu.vector_store %arg8[%swap3A_467, %swap3A_468], %swap3A_471 {strides = array<i32>} : memref<32x1024xf32, #tpu.memory_space<vmem>>, vector<1x16xf32>,
          %select_n3A_472 = arith.select %eq3A_352, %get3A_225, %get3A_337 : vector<16xi1>, vector<16xf32>
          %add3A_473 = arith.constant 240 : i32
          %add3A_474 = arith.addi %mul3A_114, %add3A_473 : i32
          %swap3A_475 = arith.index_cast %scan3A_344 : i32 to index
          %swap3A_476 = arith.index_cast %add3A_474 : i32 to index
          %swap3A_477 = tpu.vector_load %arg8[%swap3A_475, %swap3A_476] {strides = array<i32>} : memref<32x1024xf32, #tpu.memory_space<vmem>>, vector<1x16xf32>,
          %swap3A_478 = vector.shape_cast %swap3A_477 : vector<1x16xf32> to vector<16xf32>
          %swap3A_479 = vector.shape_cast %select_n3A_472 : vector<16xf32> to vector<1x16xf32>
          tpu.vector_store %arg8[%swap3A_475, %swap3A_476], %swap3A_479 {strides = array<i32>} : memref<32x1024xf32, #tpu.memory_space<vmem>>, vector<1x16xf32>,
        }
        %scan3A_343 = arith.constant 32 : i32
      }
      %scan3A_78 = arith.constant 4 : i32
      %add3A_79 = arith.addi %mul3A_2, %mul3A_66 : i32
      %dma_start3A_80 = arith.constant 0 : i32
      %dma_start3A_81 = tpu.memref_slice %arg4[%add3A_79, %dma_start3A_80] : memref<32768x1024xf32, #tpu.memory_space<hbm>> -> memref<32x1024xf32, #tpu.memory_space<hbm>>
      %dma_start3A_82 = arith.constant 0 : i32
      %dma_start3A_83 = tpu.memref_slice %arg4[%add3A_79, %dma_start3A_82] : memref<32768x1024xf32, #tpu.memory_space<hbm>> -> memref<32x1024xf32, #tpu.memory_space<hbm>>
      tpu.enqueue_dma source(%arg8 : memref<32x1024xf32, #tpu.memory_space<vmem>>) target(%dma_start3A_83 : memref<32x1024xf32, #tpu.memory_space<hbm>>) target_semaphore(%arg10 : memref<!tpu.dma_semaphore, #tpu.memory_space<semaphore_mem>>)
      %mul3A_84 = arith.constant 2 : i32
      %mul3A_85 = arith.muli %scan3A_58, %mul3A_84 : i32
      %add3A_86 = arith.constant 1 : i32
      %add3A_87 = arith.addi %mul3A_85, %add3A_86 : i32
      %gt3A_88 = arith.constant 0 : i32
      %gt3A_89 = arith.cmpi sgt, %scan3A_58, %gt3A_88 : i32
      %convert_element_type3A_90 = arith.extui %gt3A_89 : i1 to i32
      %cond3A_91 = arith.constant 0 : i32
      %cond3A_92 = arith.cmpi ne, %convert_element_type3A_90, %cond3A_91 : i32
      scf.if %cond3A_92 {
        %dma_wait3A_112 = arith.constant 0 : i32
        %dma_wait3A_113 = arith.constant 0 : i32
        %dma_wait3A_114 = tpu.memref_slice %arg4[%dma_wait3A_112, %dma_wait3A_113] : memref<32768x1024xf32, #tpu.memory_space<hbm>> -> memref<32x1024xf32, #tpu.memory_space<hbm>>
        %dma_wait3A_115 = arith.constant 0 : i32
        %dma_wait3A_116 = arith.constant 0 : i32
        %dma_wait3A_117 = tpu.memref_slice %arg4[%dma_wait3A_115, %dma_wait3A_116] : memref<32768x1024xf32, #tpu.memory_space<hbm>> -> memref<32x1024xf32, #tpu.memory_space<hbm>>
        tpu.wait_dma2 semaphore(%arg11 : memref<!tpu.dma_semaphore, #tpu.memory_space<semaphore_mem>>) src(%arg9 : memref<32x1024xf32, #tpu.memory_space<vmem>>) dst(%dma_wait3A_117 : memref<32x1024xf32, #tpu.memory_space<hbm>>)
      } else {
      }
      %mul3A_93 = arith.constant 32 : i32
      %mul3A_94 = arith.muli %add3A_87, %mul3A_93 : i32
      %scan3A_95 = arith.constant 0 : i32
      %scan3A_96 = arith.constant 0 : i32
      %scan3A_97 = arith.constant 2 : i32
      %scan3A_98 = arith.addi %scan3A_96, %scan3A_97 : i32
      %scan3A_99 = arith.constant 1 : i32
      scf.for %scan3A_112 = %scan3A_96 to %scan3A_98 step %scan3A_99  : i32 {
        %mul3A_113 = arith.constant 16 : i32
        %mul3A_114 = arith.muli %scan3A_112, %mul3A_113 : i32
        %add3A_115 = arith.addi %mul3A_94, %mul3A_114 : i32
        %get3A = arith.index_cast %add3A_115 : i32 to index
        %get3A_116 = tpu.vector_load %arg6[%get3A] {strides = array<i32>} : memref<1024xi32, #tpu.memory_space<vmem>>, vector<16xi32>,
        %get3A_117 = vector.shape_cast %get3A_116 : vector<16xi32> to vector<16xi32>
        %broadcast_in_dim3A = arith.constant 0 : i32
        %broadcast_in_dim3A_118 = vector.broadcast %broadcast_in_dim3A : i32 to vector<16x1xi32>
        %gather3A = vector.shape_cast %broadcast_in_dim3A_118 : vector<16x1xi32> to vector<16xi32>
        %gather3A_119 = tpu.dynamic_gather %get3A_117[%gather3A] in [0] : vector<16xi32>, vector<16xi32> -> vector<16xi32>
        %mul3A_120 = arith.constant 16 : i32
        %mul3A_121 = arith.muli %scan3A_112, %mul3A_120 : i32
        %add3A_122 = arith.constant 0 : i32
        %add3A_123 = arith.addi %mul3A_121, %add3A_122 : i32
        %mul3A_124 = arith.constant 16 : i32
        %mul3A_125 = arith.muli %add3A_123, %mul3A_124 : i32
        %swap3A = arith.index_cast %mul3A_125 : i32 to index
        %swap3A_126 = tpu.vector_load %arg7[%swap3A] {strides = array<i32>} : memref<512xi32, #tpu.memory_space<vmem>>, vector<16xi32>,
        %swap3A_127 = vector.shape_cast %swap3A_126 : vector<16xi32> to vector<16xi32>
        %swap3A_128 = vector.shape_cast %gather3A_119 : vector<16xi32> to vector<16xi32>
        tpu.vector_store %arg7[%swap3A], %swap3A_128 {strides = array<i32>} : memref<512xi32, #tpu.memory_space<vmem>>, vector<16xi32>,
        %broadcast_in_dim3A_129 = arith.constant 1 : i32
        %broadcast_in_dim3A_130 = vector.broadcast %broadcast_in_dim3A_129 : i32 to vector<16x1xi32>
        %gather3A_131 = vector.shape_cast %broadcast_in_dim3A_130 : vector<16x1xi32> to vector<16xi32>
        %gather3A_132 = tpu.dynamic_gather %get3A_117[%gather3A_131] in [0] : vector<16xi32>, vector<16xi32> -> vector<16xi32>
        %mul3A_133 = arith.constant 16 : i32
        %mul3A_134 = arith.muli %scan3A_112, %mul3A_133 : i32
        %add3A_135 = arith.constant 1 : i32
        %add3A_136 = arith.addi %mul3A_134, %add3A_135 : i32
        %mul3A_137 = arith.constant 16 : i32
        %mul3A_138 = arith.muli %add3A_136, %mul3A_137 : i32
        %swap3A_139 = arith.index_cast %mul3A_138 : i32 to index
        %swap3A_140 = tpu.vector_load %arg7[%swap3A_139] {strides = array<i32>} : memref<512xi32, #tpu.memory_space<vmem>>, vector<16xi32>,
        %swap3A_141 = vector.shape_cast %swap3A_140 : vector<16xi32> to vector<16xi32>
        %swap3A_142 = vector.shape_cast %gather3A_132 : vector<16xi32> to vector<16xi32>
        tpu.vector_store %arg7[%swap3A_139], %swap3A_142 {strides = array<i32>} : memref<512xi32, #tpu.memory_space<vmem>>, vector<16xi32>,
        %broadcast_in_dim3A_143 = arith.constant 2 : i32
        %broadcast_in_dim3A_144 = vector.broadcast %broadcast_in_dim3A_143 : i32 to vector<16x1xi32>
        %gather3A_145 = vector.shape_cast %broadcast_in_dim3A_144 : vector<16x1xi32> to vector<16xi32>
        %gather3A_146 = tpu.dynamic_gather %get3A_117[%gather3A_145] in [0] : vector<16xi32>, vector<16xi32> -> vector<16xi32>
        %mul3A_147 = arith.constant 16 : i32
        %mul3A_148 = arith.muli %scan3A_112, %mul3A_147 : i32
        %add3A_149 = arith.constant 2 : i32
        %add3A_150 = arith.addi %mul3A_148, %add3A_149 : i32
        %mul3A_151 = arith.constant 16 : i32
        %mul3A_152 = arith.muli %add3A_150, %mul3A_151 : i32
        %swap3A_153 = arith.index_cast %mul3A_152 : i32 to index
        %swap3A_154 = tpu.vector_load %arg7[%swap3A_153] {strides = array<i32>} : memref<512xi32, #tpu.memory_space<vmem>>, vector<16xi32>,
        %swap3A_155 = vector.shape_cast %swap3A_154 : vector<16xi32> to vector<16xi32>
        %swap3A_156 = vector.shape_cast %gather3A_146 : vector<16xi32> to vector<16xi32>
        tpu.vector_store %arg7[%swap3A_153], %swap3A_156 {strides = array<i32>} : memref<512xi32, #tpu.memory_space<vmem>>, vector<16xi32>,
        %broadcast_in_dim3A_157 = arith.constant 3 : i32
        %broadcast_in_dim3A_158 = vector.broadcast %broadcast_in_dim3A_157 : i32 to vector<16x1xi32>
        %gather3A_159 = vector.shape_cast %broadcast_in_dim3A_158 : vector<16x1xi32> to vector<16xi32>
        %gather3A_160 = tpu.dynamic_gather %get3A_117[%gather3A_159] in [0] : vector<16xi32>, vector<16xi32> -> vector<16xi32>
        %mul3A_161 = arith.constant 16 : i32
        %mul3A_162 = arith.muli %scan3A_112, %mul3A_161 : i32
        %add3A_163 = arith.constant 3 : i32
        %add3A_164 = arith.addi %mul3A_162, %add3A_163 : i32
        %mul3A_165 = arith.constant 16 : i32
        %mul3A_166 = arith.muli %add3A_164, %mul3A_165 : i32
        %swap3A_167 = arith.index_cast %mul3A_166 : i32 to index
        %swap3A_168 = tpu.vector_load %arg7[%swap3A_167] {strides = array<i32>} : memref<512xi32, #tpu.memory_space<vmem>>, vector<16xi32>,
        %swap3A_169 = vector.shape_cast %swap3A_168 : vector<16xi32> to vector<16xi32>
        %swap3A_170 = vector.shape_cast %gather3A_160 : vector<16xi32> to vector<16xi32>
        tpu.vector_store %arg7[%swap3A_167], %swap3A_170 {strides = array<i32>} : memref<512xi32, #tpu.memory_space<vmem>>, vector<16xi32>,
        %broadcast_in_dim3A_171 = arith.constant 4 : i32
        %broadcast_in_dim3A_172 = vector.broadcast %broadcast_in_dim3A_171 : i32 to vector<16x1xi32>
        %gather3A_173 = vector.shape_cast %broadcast_in_dim3A_172 : vector<16x1xi32> to vector<16xi32>
        %gather3A_174 = tpu.dynamic_gather %get3A_117[%gather3A_173] in [0] : vector<16xi32>, vector<16xi32> -> vector<16xi32>
        %mul3A_175 = arith.constant 16 : i32
        %mul3A_176 = arith.muli %scan3A_112, %mul3A_175 : i32
        %add3A_177 = arith.constant 4 : i32
        %add3A_178 = arith.addi %mul3A_176, %add3A_177 : i32
        %mul3A_179 = arith.constant 16 : i32
        %mul3A_180 = arith.muli %add3A_178, %mul3A_179 : i32
        %swap3A_181 = arith.index_cast %mul3A_180 : i32 to index
        %swap3A_182 = tpu.vector_load %arg7[%swap3A_181] {strides = array<i32>} : memref<512xi32, #tpu.memory_space<vmem>>, vector<16xi32>,
        %swap3A_183 = vector.shape_cast %swap3A_182 : vector<16xi32> to vector<16xi32>
        %swap3A_184 = vector.shape_cast %gather3A_174 : vector<16xi32> to vector<16xi32>
        tpu.vector_store %arg7[%swap3A_181], %swap3A_184 {strides = array<i32>} : memref<512xi32, #tpu.memory_space<vmem>>, vector<16xi32>,
        %broadcast_in_dim3A_185 = arith.constant 5 : i32
        %broadcast_in_dim3A_186 = vector.broadcast %broadcast_in_dim3A_185 : i32 to vector<16x1xi32>
        %gather3A_187 = vector.shape_cast %broadcast_in_dim3A_186 : vector<16x1xi32> to vector<16xi32>
        %gather3A_188 = tpu.dynamic_gather %get3A_117[%gather3A_187] in [0] : vector<16xi32>, vector<16xi32> -> vector<16xi32>
        %mul3A_189 = arith.constant 16 : i32
        %mul3A_190 = arith.muli %scan3A_112, %mul3A_189 : i32
        %add3A_191 = arith.constant 5 : i32
        %add3A_192 = arith.addi %mul3A_190, %add3A_191 : i32
        %mul3A_193 = arith.constant 16 : i32
        %mul3A_194 = arith.muli %add3A_192, %mul3A_193 : i32
        %swap3A_195 = arith.index_cast %mul3A_194 : i32 to index
        %swap3A_196 = tpu.vector_load %arg7[%swap3A_195] {strides = array<i32>} : memref<512xi32, #tpu.memory_space<vmem>>, vector<16xi32>,
        %swap3A_197 = vector.shape_cast %swap3A_196 : vector<16xi32> to vector<16xi32>
        %swap3A_198 = vector.shape_cast %gather3A_188 : vector<16xi32> to vector<16xi32>
        tpu.vector_store %arg7[%swap3A_195], %swap3A_198 {strides = array<i32>} : memref<512xi32, #tpu.memory_space<vmem>>, vector<16xi32>,
        %broadcast_in_dim3A_199 = arith.constant 6 : i32
        %broadcast_in_dim3A_200 = vector.broadcast %broadcast_in_dim3A_199 : i32 to vector<16x1xi32>
        %gather3A_201 = vector.shape_cast %broadcast_in_dim3A_200 : vector<16x1xi32> to vector<16xi32>
        %gather3A_202 = tpu.dynamic_gather %get3A_117[%gather3A_201] in [0] : vector<16xi32>, vector<16xi32> -> vector<16xi32>
        %mul3A_203 = arith.constant 16 : i32
        %mul3A_204 = arith.muli %scan3A_112, %mul3A_203 : i32
        %add3A_205 = arith.constant 6 : i32
        %add3A_206 = arith.addi %mul3A_204, %add3A_205 : i32
        %mul3A_207 = arith.constant 16 : i32
        %mul3A_208 = arith.muli %add3A_206, %mul3A_207 : i32
        %swap3A_209 = arith.index_cast %mul3A_208 : i32 to index
        %swap3A_210 = tpu.vector_load %arg7[%swap3A_209] {strides = array<i32>} : memref<512xi32, #tpu.memory_space<vmem>>, vector<16xi32>,
        %swap3A_211 = vector.shape_cast %swap3A_210 : vector<16xi32> to vector<16xi32>
        %swap3A_212 = vector.shape_cast %gather3A_202 : vector<16xi32> to vector<16xi32>
        tpu.vector_store %arg7[%swap3A_209], %swap3A_212 {strides = array<i32>} : memref<512xi32, #tpu.memory_space<vmem>>, vector<16xi32>,
        %broadcast_in_dim3A_213 = arith.constant 7 : i32
        %broadcast_in_dim3A_214 = vector.broadcast %broadcast_in_dim3A_213 : i32 to vector<16x1xi32>
        %gather3A_215 = vector.shape_cast %broadcast_in_dim3A_214 : vector<16x1xi32> to vector<16xi32>
        %gather3A_216 = tpu.dynamic_gather %get3A_117[%gather3A_215] in [0] : vector<16xi32>, vector<16xi32> -> vector<16xi32>
        %mul3A_217 = arith.constant 16 : i32
        %mul3A_218 = arith.muli %scan3A_112, %mul3A_217 : i32
        %add3A_219 = arith.constant 7 : i32
        %add3A_220 = arith.addi %mul3A_218, %add3A_219 : i32
        %mul3A_221 = arith.constant 16 : i32
        %mul3A_222 = arith.muli %add3A_220, %mul3A_221 : i32
        %swap3A_223 = arith.index_cast %mul3A_222 : i32 to index
        %swap3A_224 = tpu.vector_load %arg7[%swap3A_223] {strides = array<i32>} : memref<512xi32, #tpu.memory_space<vmem>>, vector<16xi32>,
        %swap3A_225 = vector.shape_cast %swap3A_224 : vector<16xi32> to vector<16xi32>
        %swap3A_226 = vector.shape_cast %gather3A_216 : vector<16xi32> to vector<16xi32>
        tpu.vector_store %arg7[%swap3A_223], %swap3A_226 {strides = array<i32>} : memref<512xi32, #tpu.memory_space<vmem>>, vector<16xi32>,
        %broadcast_in_dim3A_227 = arith.constant 8 : i32
        %broadcast_in_dim3A_228 = vector.broadcast %broadcast_in_dim3A_227 : i32 to vector<16x1xi32>
        %gather3A_229 = vector.shape_cast %broadcast_in_dim3A_228 : vector<16x1xi32> to vector<16xi32>
        %gather3A_230 = tpu.dynamic_gather %get3A_117[%gather3A_229] in [0] : vector<16xi32>, vector<16xi32> -> vector<16xi32>
        %mul3A_231 = arith.constant 16 : i32
        %mul3A_232 = arith.muli %scan3A_112, %mul3A_231 : i32
        %add3A_233 = arith.constant 8 : i32
        %add3A_234 = arith.addi %mul3A_232, %add3A_233 : i32
        %mul3A_235 = arith.constant 16 : i32
        %mul3A_236 = arith.muli %add3A_234, %mul3A_235 : i32
        %swap3A_237 = arith.index_cast %mul3A_236 : i32 to index
        %swap3A_238 = tpu.vector_load %arg7[%swap3A_237] {strides = array<i32>} : memref<512xi32, #tpu.memory_space<vmem>>, vector<16xi32>,
        %swap3A_239 = vector.shape_cast %swap3A_238 : vector<16xi32> to vector<16xi32>
        %swap3A_240 = vector.shape_cast %gather3A_230 : vector<16xi32> to vector<16xi32>
        tpu.vector_store %arg7[%swap3A_237], %swap3A_240 {strides = array<i32>} : memref<512xi32, #tpu.memory_space<vmem>>, vector<16xi32>,
        %broadcast_in_dim3A_241 = arith.constant 9 : i32
        %broadcast_in_dim3A_242 = vector.broadcast %broadcast_in_dim3A_241 : i32 to vector<16x1xi32>
        %gather3A_243 = vector.shape_cast %broadcast_in_dim3A_242 : vector<16x1xi32> to vector<16xi32>
        %gather3A_244 = tpu.dynamic_gather %get3A_117[%gather3A_243] in [0] : vector<16xi32>, vector<16xi32> -> vector<16xi32>
        %mul3A_245 = arith.constant 16 : i32
        %mul3A_246 = arith.muli %scan3A_112, %mul3A_245 : i32
        %add3A_247 = arith.constant 9 : i32
        %add3A_248 = arith.addi %mul3A_246, %add3A_247 : i32
        %mul3A_249 = arith.constant 16 : i32
        %mul3A_250 = arith.muli %add3A_248, %mul3A_249 : i32
        %swap3A_251 = arith.index_cast %mul3A_250 : i32 to index
        %swap3A_252 = tpu.vector_load %arg7[%swap3A_251] {strides = array<i32>} : memref<512xi32, #tpu.memory_space<vmem>>, vector<16xi32>,
        %swap3A_253 = vector.shape_cast %swap3A_252 : vector<16xi32> to vector<16xi32>
        %swap3A_254 = vector.shape_cast %gather3A_244 : vector<16xi32> to vector<16xi32>
        tpu.vector_store %arg7[%swap3A_251], %swap3A_254 {strides = array<i32>} : memref<512xi32, #tpu.memory_space<vmem>>, vector<16xi32>,
        %broadcast_in_dim3A_255 = arith.constant 10 : i32
        %broadcast_in_dim3A_256 = vector.broadcast %broadcast_in_dim3A_255 : i32 to vector<16x1xi32>
        %gather3A_257 = vector.shape_cast %broadcast_in_dim3A_256 : vector<16x1xi32> to vector<16xi32>
        %gather3A_258 = tpu.dynamic_gather %get3A_117[%gather3A_257] in [0] : vector<16xi32>, vector<16xi32> -> vector<16xi32>
        %mul3A_259 = arith.constant 16 : i32
        %mul3A_260 = arith.muli %scan3A_112, %mul3A_259 : i32
        %add3A_261 = arith.constant 10 : i32
        %add3A_262 = arith.addi %mul3A_260, %add3A_261 : i32
        %mul3A_263 = arith.constant 16 : i32
        %mul3A_264 = arith.muli %add3A_262, %mul3A_263 : i32
        %swap3A_265 = arith.index_cast %mul3A_264 : i32 to index
        %swap3A_266 = tpu.vector_load %arg7[%swap3A_265] {strides = array<i32>} : memref<512xi32, #tpu.memory_space<vmem>>, vector<16xi32>,
        %swap3A_267 = vector.shape_cast %swap3A_266 : vector<16xi32> to vector<16xi32>
        %swap3A_268 = vector.shape_cast %gather3A_258 : vector<16xi32> to vector<16xi32>
        tpu.vector_store %arg7[%swap3A_265], %swap3A_268 {strides = array<i32>} : memref<512xi32, #tpu.memory_space<vmem>>, vector<16xi32>,
        %broadcast_in_dim3A_269 = arith.constant 11 : i32
        %broadcast_in_dim3A_270 = vector.broadcast %broadcast_in_dim3A_269 : i32 to vector<16x1xi32>
        %gather3A_271 = vector.shape_cast %broadcast_in_dim3A_270 : vector<16x1xi32> to vector<16xi32>
        %gather3A_272 = tpu.dynamic_gather %get3A_117[%gather3A_271] in [0] : vector<16xi32>, vector<16xi32> -> vector<16xi32>
        %mul3A_273 = arith.constant 16 : i32
        %mul3A_274 = arith.muli %scan3A_112, %mul3A_273 : i32
        %add3A_275 = arith.constant 11 : i32
        %add3A_276 = arith.addi %mul3A_274, %add3A_275 : i32
        %mul3A_277 = arith.constant 16 : i32
        %mul3A_278 = arith.muli %add3A_276, %mul3A_277 : i32
        %swap3A_279 = arith.index_cast %mul3A_278 : i32 to index
        %swap3A_280 = tpu.vector_load %arg7[%swap3A_279] {strides = array<i32>} : memref<512xi32, #tpu.memory_space<vmem>>, vector<16xi32>,
        %swap3A_281 = vector.shape_cast %swap3A_280 : vector<16xi32> to vector<16xi32>
        %swap3A_282 = vector.shape_cast %gather3A_272 : vector<16xi32> to vector<16xi32>
        tpu.vector_store %arg7[%swap3A_279], %swap3A_282 {strides = array<i32>} : memref<512xi32, #tpu.memory_space<vmem>>, vector<16xi32>,
        %broadcast_in_dim3A_283 = arith.constant 12 : i32
        %broadcast_in_dim3A_284 = vector.broadcast %broadcast_in_dim3A_283 : i32 to vector<16x1xi32>
        %gather3A_285 = vector.shape_cast %broadcast_in_dim3A_284 : vector<16x1xi32> to vector<16xi32>
        %gather3A_286 = tpu.dynamic_gather %get3A_117[%gather3A_285] in [0] : vector<16xi32>, vector<16xi32> -> vector<16xi32>
        %mul3A_287 = arith.constant 16 : i32
        %mul3A_288 = arith.muli %scan3A_112, %mul3A_287 : i32
        %add3A_289 = arith.constant 12 : i32
        %add3A_290 = arith.addi %mul3A_288, %add3A_289 : i32
        %mul3A_291 = arith.constant 16 : i32
        %mul3A_292 = arith.muli %add3A_290, %mul3A_291 : i32
        %swap3A_293 = arith.index_cast %mul3A_292 : i32 to index
        %swap3A_294 = tpu.vector_load %arg7[%swap3A_293] {strides = array<i32>} : memref<512xi32, #tpu.memory_space<vmem>>, vector<16xi32>,
        %swap3A_295 = vector.shape_cast %swap3A_294 : vector<16xi32> to vector<16xi32>
        %swap3A_296 = vector.shape_cast %gather3A_286 : vector<16xi32> to vector<16xi32>
        tpu.vector_store %arg7[%swap3A_293], %swap3A_296 {strides = array<i32>} : memref<512xi32, #tpu.memory_space<vmem>>, vector<16xi32>,
        %broadcast_in_dim3A_297 = arith.constant 13 : i32
        %broadcast_in_dim3A_298 = vector.broadcast %broadcast_in_dim3A_297 : i32 to vector<16x1xi32>
        %gather3A_299 = vector.shape_cast %broadcast_in_dim3A_298 : vector<16x1xi32> to vector<16xi32>
        %gather3A_300 = tpu.dynamic_gather %get3A_117[%gather3A_299] in [0] : vector<16xi32>, vector<16xi32> -> vector<16xi32>
        %mul3A_301 = arith.constant 16 : i32
        %mul3A_302 = arith.muli %scan3A_112, %mul3A_301 : i32
        %add3A_303 = arith.constant 13 : i32
        %add3A_304 = arith.addi %mul3A_302, %add3A_303 : i32
        %mul3A_305 = arith.constant 16 : i32
        %mul3A_306 = arith.muli %add3A_304, %mul3A_305 : i32
        %swap3A_307 = arith.index_cast %mul3A_306 : i32 to index
        %swap3A_308 = tpu.vector_load %arg7[%swap3A_307] {strides = array<i32>} : memref<512xi32, #tpu.memory_space<vmem>>, vector<16xi32>,
        %swap3A_309 = vector.shape_cast %swap3A_308 : vector<16xi32> to vector<16xi32>
        %swap3A_310 = vector.shape_cast %gather3A_300 : vector<16xi32> to vector<16xi32>
        tpu.vector_store %arg7[%swap3A_307], %swap3A_310 {strides = array<i32>} : memref<512xi32, #tpu.memory_space<vmem>>, vector<16xi32>,
        %broadcast_in_dim3A_311 = arith.constant 14 : i32
        %broadcast_in_dim3A_312 = vector.broadcast %broadcast_in_dim3A_311 : i32 to vector<16x1xi32>
        %gather3A_313 = vector.shape_cast %broadcast_in_dim3A_312 : vector<16x1xi32> to vector<16xi32>
        %gather3A_314 = tpu.dynamic_gather %get3A_117[%gather3A_313] in [0] : vector<16xi32>, vector<16xi32> -> vector<16xi32>
        %mul3A_315 = arith.constant 16 : i32
        %mul3A_316 = arith.muli %scan3A_112, %mul3A_315 : i32
        %add3A_317 = arith.constant 14 : i32
        %add3A_318 = arith.addi %mul3A_316, %add3A_317 : i32
        %mul3A_319 = arith.constant 16 : i32
        %mul3A_320 = arith.muli %add3A_318, %mul3A_319 : i32
        %swap3A_321 = arith.index_cast %mul3A_320 : i32 to index
        %swap3A_322 = tpu.vector_load %arg7[%swap3A_321] {strides = array<i32>} : memref<512xi32, #tpu.memory_space<vmem>>, vector<16xi32>,
        %swap3A_323 = vector.shape_cast %swap3A_322 : vector<16xi32> to vector<16xi32>
        %swap3A_324 = vector.shape_cast %gather3A_314 : vector<16xi32> to vector<16xi32>
        tpu.vector_store %arg7[%swap3A_321], %swap3A_324 {strides = array<i32>} : memref<512xi32, #tpu.memory_space<vmem>>, vector<16xi32>,
        %broadcast_in_dim3A_325 = arith.constant 15 : i32
        %broadcast_in_dim3A_326 = vector.broadcast %broadcast_in_dim3A_325 : i32 to vector<16x1xi32>
        %gather3A_327 = vector.shape_cast %broadcast_in_dim3A_326 : vector<16x1xi32> to vector<16xi32>
        %gather3A_328 = tpu.dynamic_gather %get3A_117[%gather3A_327] in [0] : vector<16xi32>, vector<16xi32> -> vector<16xi32>
        %mul3A_329 = arith.constant 16 : i32
        %mul3A_330 = arith.muli %scan3A_112, %mul3A_329 : i32
        %add3A_331 = arith.constant 15 : i32
        %add3A_332 = arith.addi %mul3A_330, %add3A_331 : i32
        %mul3A_333 = arith.constant 16 : i32
        %mul3A_334 = arith.muli %add3A_332, %mul3A_333 : i32
        %swap3A_335 = arith.index_cast %mul3A_334 : i32 to index
        %swap3A_336 = tpu.vector_load %arg7[%swap3A_335] {strides = array<i32>} : memref<512xi32, #tpu.memory_space<vmem>>, vector<16xi32>,
        %swap3A_337 = vector.shape_cast %swap3A_336 : vector<16xi32> to vector<16xi32>
        %swap3A_338 = vector.shape_cast %gather3A_328 : vector<16xi32> to vector<16xi32>
        tpu.vector_store %arg7[%swap3A_335], %swap3A_338 {strides = array<i32>} : memref<512xi32, #tpu.memory_space<vmem>>, vector<16xi32>,
      }
      %scan3A_100 = arith.constant 2 : i32
      %scan3A_101 = arith.constant 0 : i32
      %scan3A_102 = arith.constant 0 : i32
      %scan3A_103 = arith.constant 4 : i32
      %scan3A_104 = arith.addi %scan3A_102, %scan3A_103 : i32
      %scan3A_105 = arith.constant 1 : i32
      scf.for %scan3A_112 = %scan3A_102 to %scan3A_104 step %scan3A_105  : i32 {
        %mul3A_113 = arith.constant 256 : i32
        %mul3A_114 = arith.muli %scan3A_112, %mul3A_113 : i32
        %add3A_115 = arith.constant 0 : i32
        %add3A_116 = arith.addi %mul3A_114, %add3A_115 : i32
        %get3A = arith.constant 0 : i32
        %get3A_117 = arith.index_cast %get3A : i32 to index
        %get3A_118 = arith.index_cast %add3A_116 : i32 to index
        %get3A_119 = tpu.vector_load %arg5[%get3A_117, %get3A_118] {strides = array<i32>} : memref<2x1024xf32, #tpu.memory_space<vmem>>, vector<1x16xf32>,
        %get3A_120 = vector.shape_cast %get3A_119 : vector<1x16xf32> to vector<16xf32>
        %add3A_121 = arith.constant 16 : i32
        %add3A_122 = arith.addi %mul3A_114, %add3A_121 : i32
        %get3A_123 = arith.constant 0 : i32
        %get3A_124 = arith.index_cast %get3A_123 : i32 to index
        %get3A_125 = arith.index_cast %add3A_122 : i32 to index
        %get3A_126 = tpu.vector_load %arg5[%get3A_124, %get3A_125] {strides = array<i32>} : memref<2x1024xf32, #tpu.memory_space<vmem>>, vector<1x16xf32>,
        %get3A_127 = vector.shape_cast %get3A_126 : vector<1x16xf32> to vector<16xf32>
        %add3A_128 = arith.constant 32 : i32
        %add3A_129 = arith.addi %mul3A_114, %add3A_128 : i32
        %get3A_130 = arith.constant 0 : i32
        %get3A_131 = arith.index_cast %get3A_130 : i32 to index
        %get3A_132 = arith.index_cast %add3A_129 : i32 to index
        %get3A_133 = tpu.vector_load %arg5[%get3A_131, %get3A_132] {strides = array<i32>} : memref<2x1024xf32, #tpu.memory_space<vmem>>, vector<1x16xf32>,
        %get3A_134 = vector.shape_cast %get3A_133 : vector<1x16xf32> to vector<16xf32>
        %add3A_135 = arith.constant 48 : i32
        %add3A_136 = arith.addi %mul3A_114, %add3A_135 : i32
        %get3A_137 = arith.constant 0 : i32
        %get3A_138 = arith.index_cast %get3A_137 : i32 to index
        %get3A_139 = arith.index_cast %add3A_136 : i32 to index
        %get3A_140 = tpu.vector_load %arg5[%get3A_138, %get3A_139] {strides = array<i32>} : memref<2x1024xf32, #tpu.memory_space<vmem>>, vector<1x16xf32>,
        %get3A_141 = vector.shape_cast %get3A_140 : vector<1x16xf32> to vector<16xf32>
        %add3A_142 = arith.constant 64 : i32
        %add3A_143 = arith.addi %mul3A_114, %add3A_142 : i32
        %get3A_144 = arith.constant 0 : i32
        %get3A_145 = arith.index_cast %get3A_144 : i32 to index
        %get3A_146 = arith.index_cast %add3A_143 : i32 to index
        %get3A_147 = tpu.vector_load %arg5[%get3A_145, %get3A_146] {strides = array<i32>} : memref<2x1024xf32, #tpu.memory_space<vmem>>, vector<1x16xf32>,
        %get3A_148 = vector.shape_cast %get3A_147 : vector<1x16xf32> to vector<16xf32>
        %add3A_149 = arith.constant 80 : i32
        %add3A_150 = arith.addi %mul3A_114, %add3A_149 : i32
        %get3A_151 = arith.constant 0 : i32
        %get3A_152 = arith.index_cast %get3A_151 : i32 to index
        %get3A_153 = arith.index_cast %add3A_150 : i32 to index
        %get3A_154 = tpu.vector_load %arg5[%get3A_152, %get3A_153] {strides = array<i32>} : memref<2x1024xf32, #tpu.memory_space<vmem>>, vector<1x16xf32>,
        %get3A_155 = vector.shape_cast %get3A_154 : vector<1x16xf32> to vector<16xf32>
        %add3A_156 = arith.constant 96 : i32
        %add3A_157 = arith.addi %mul3A_114, %add3A_156 : i32
        %get3A_158 = arith.constant 0 : i32
        %get3A_159 = arith.index_cast %get3A_158 : i32 to index
        %get3A_160 = arith.index_cast %add3A_157 : i32 to index
        %get3A_161 = tpu.vector_load %arg5[%get3A_159, %get3A_160] {strides = array<i32>} : memref<2x1024xf32, #tpu.memory_space<vmem>>, vector<1x16xf32>,
        %get3A_162 = vector.shape_cast %get3A_161 : vector<1x16xf32> to vector<16xf32>
        %add3A_163 = arith.constant 112 : i32
        %add3A_164 = arith.addi %mul3A_114, %add3A_163 : i32
        %get3A_165 = arith.constant 0 : i32
        %get3A_166 = arith.index_cast %get3A_165 : i32 to index
        %get3A_167 = arith.index_cast %add3A_164 : i32 to index
        %get3A_168 = tpu.vector_load %arg5[%get3A_166, %get3A_167] {strides = array<i32>} : memref<2x1024xf32, #tpu.memory_space<vmem>>, vector<1x16xf32>,
        %get3A_169 = vector.shape_cast %get3A_168 : vector<1x16xf32> to vector<16xf32>
        %add3A_170 = arith.constant 128 : i32
        %add3A_171 = arith.addi %mul3A_114, %add3A_170 : i32
        %get3A_172 = arith.constant 0 : i32
        %get3A_173 = arith.index_cast %get3A_172 : i32 to index
        %get3A_174 = arith.index_cast %add3A_171 : i32 to index
        %get3A_175 = tpu.vector_load %arg5[%get3A_173, %get3A_174] {strides = array<i32>} : memref<2x1024xf32, #tpu.memory_space<vmem>>, vector<1x16xf32>,
        %get3A_176 = vector.shape_cast %get3A_175 : vector<1x16xf32> to vector<16xf32>
        %add3A_177 = arith.constant 144 : i32
        %add3A_178 = arith.addi %mul3A_114, %add3A_177 : i32
        %get3A_179 = arith.constant 0 : i32
        %get3A_180 = arith.index_cast %get3A_179 : i32 to index
        %get3A_181 = arith.index_cast %add3A_178 : i32 to index
        %get3A_182 = tpu.vector_load %arg5[%get3A_180, %get3A_181] {strides = array<i32>} : memref<2x1024xf32, #tpu.memory_space<vmem>>, vector<1x16xf32>,
        %get3A_183 = vector.shape_cast %get3A_182 : vector<1x16xf32> to vector<16xf32>
        %add3A_184 = arith.constant 160 : i32
        %add3A_185 = arith.addi %mul3A_114, %add3A_184 : i32
        %get3A_186 = arith.constant 0 : i32
        %get3A_187 = arith.index_cast %get3A_186 : i32 to index
        %get3A_188 = arith.index_cast %add3A_185 : i32 to index
        %get3A_189 = tpu.vector_load %arg5[%get3A_187, %get3A_188] {strides = array<i32>} : memref<2x1024xf32, #tpu.memory_space<vmem>>, vector<1x16xf32>,
        %get3A_190 = vector.shape_cast %get3A_189 : vector<1x16xf32> to vector<16xf32>
        %add3A_191 = arith.constant 176 : i32
        %add3A_192 = arith.addi %mul3A_114, %add3A_191 : i32
        %get3A_193 = arith.constant 0 : i32
        %get3A_194 = arith.index_cast %get3A_193 : i32 to index
        %get3A_195 = arith.index_cast %add3A_192 : i32 to index
        %get3A_196 = tpu.vector_load %arg5[%get3A_194, %get3A_195] {strides = array<i32>} : memref<2x1024xf32, #tpu.memory_space<vmem>>, vector<1x16xf32>,
        %get3A_197 = vector.shape_cast %get3A_196 : vector<1x16xf32> to vector<16xf32>
        %add3A_198 = arith.constant 192 : i32
        %add3A_199 = arith.addi %mul3A_114, %add3A_198 : i32
        %get3A_200 = arith.constant 0 : i32
        %get3A_201 = arith.index_cast %get3A_200 : i32 to index
        %get3A_202 = arith.index_cast %add3A_199 : i32 to index
        %get3A_203 = tpu.vector_load %arg5[%get3A_201, %get3A_202] {strides = array<i32>} : memref<2x1024xf32, #tpu.memory_space<vmem>>, vector<1x16xf32>,
        %get3A_204 = vector.shape_cast %get3A_203 : vector<1x16xf32> to vector<16xf32>
        %add3A_205 = arith.constant 208 : i32
        %add3A_206 = arith.addi %mul3A_114, %add3A_205 : i32
        %get3A_207 = arith.constant 0 : i32
        %get3A_208 = arith.index_cast %get3A_207 : i32 to index
        %get3A_209 = arith.index_cast %add3A_206 : i32 to index
        %get3A_210 = tpu.vector_load %arg5[%get3A_208, %get3A_209] {strides = array<i32>} : memref<2x1024xf32, #tpu.memory_space<vmem>>, vector<1x16xf32>,
        %get3A_211 = vector.shape_cast %get3A_210 : vector<1x16xf32> to vector<16xf32>
        %add3A_212 = arith.constant 224 : i32
        %add3A_213 = arith.addi %mul3A_114, %add3A_212 : i32
        %get3A_214 = arith.constant 0 : i32
        %get3A_215 = arith.index_cast %get3A_214 : i32 to index
        %get3A_216 = arith.index_cast %add3A_213 : i32 to index
        %get3A_217 = tpu.vector_load %arg5[%get3A_215, %get3A_216] {strides = array<i32>} : memref<2x1024xf32, #tpu.memory_space<vmem>>, vector<1x16xf32>,
        %get3A_218 = vector.shape_cast %get3A_217 : vector<1x16xf32> to vector<16xf32>
        %add3A_219 = arith.constant 240 : i32
        %add3A_220 = arith.addi %mul3A_114, %add3A_219 : i32
        %get3A_221 = arith.constant 0 : i32
        %get3A_222 = arith.index_cast %get3A_221 : i32 to index
        %get3A_223 = arith.index_cast %add3A_220 : i32 to index
        %get3A_224 = tpu.vector_load %arg5[%get3A_222, %get3A_223] {strides = array<i32>} : memref<2x1024xf32, #tpu.memory_space<vmem>>, vector<1x16xf32>,
        %get3A_225 = vector.shape_cast %get3A_224 : vector<1x16xf32> to vector<16xf32>
        %add3A_226 = arith.constant 0 : i32
        %add3A_227 = arith.addi %mul3A_114, %add3A_226 : i32
        %get3A_228 = arith.constant 1 : i32
        %get3A_229 = arith.index_cast %get3A_228 : i32 to index
        %get3A_230 = arith.index_cast %add3A_227 : i32 to index
        %get3A_231 = tpu.vector_load %arg5[%get3A_229, %get3A_230] {strides = array<i32>} : memref<2x1024xf32, #tpu.memory_space<vmem>>, vector<1x16xf32>,
        %get3A_232 = vector.shape_cast %get3A_231 : vector<1x16xf32> to vector<16xf32>
        %add3A_233 = arith.constant 16 : i32
        %add3A_234 = arith.addi %mul3A_114, %add3A_233 : i32
        %get3A_235 = arith.constant 1 : i32
        %get3A_236 = arith.index_cast %get3A_235 : i32 to index
        %get3A_237 = arith.index_cast %add3A_234 : i32 to index
        %get3A_238 = tpu.vector_load %arg5[%get3A_236, %get3A_237] {strides = array<i32>} : memref<2x1024xf32, #tpu.memory_space<vmem>>, vector<1x16xf32>,
        %get3A_239 = vector.shape_cast %get3A_238 : vector<1x16xf32> to vector<16xf32>
        %add3A_240 = arith.constant 32 : i32
        %add3A_241 = arith.addi %mul3A_114, %add3A_240 : i32
        %get3A_242 = arith.constant 1 : i32
        %get3A_243 = arith.index_cast %get3A_242 : i32 to index
        %get3A_244 = arith.index_cast %add3A_241 : i32 to index
        %get3A_245 = tpu.vector_load %arg5[%get3A_243, %get3A_244] {strides = array<i32>} : memref<2x1024xf32, #tpu.memory_space<vmem>>, vector<1x16xf32>,
        %get3A_246 = vector.shape_cast %get3A_245 : vector<1x16xf32> to vector<16xf32>
        %add3A_247 = arith.constant 48 : i32
        %add3A_248 = arith.addi %mul3A_114, %add3A_247 : i32
        %get3A_249 = arith.constant 1 : i32
        %get3A_250 = arith.index_cast %get3A_249 : i32 to index
        %get3A_251 = arith.index_cast %add3A_248 : i32 to index
        %get3A_252 = tpu.vector_load %arg5[%get3A_250, %get3A_251] {strides = array<i32>} : memref<2x1024xf32, #tpu.memory_space<vmem>>, vector<1x16xf32>,
        %get3A_253 = vector.shape_cast %get3A_252 : vector<1x16xf32> to vector<16xf32>
        %add3A_254 = arith.constant 64 : i32
        %add3A_255 = arith.addi %mul3A_114, %add3A_254 : i32
        %get3A_256 = arith.constant 1 : i32
        %get3A_257 = arith.index_cast %get3A_256 : i32 to index
        %get3A_258 = arith.index_cast %add3A_255 : i32 to index
        %get3A_259 = tpu.vector_load %arg5[%get3A_257, %get3A_258] {strides = array<i32>} : memref<2x1024xf32, #tpu.memory_space<vmem>>, vector<1x16xf32>,
        %get3A_260 = vector.shape_cast %get3A_259 : vector<1x16xf32> to vector<16xf32>
        %add3A_261 = arith.constant 80 : i32
        %add3A_262 = arith.addi %mul3A_114, %add3A_261 : i32
        %get3A_263 = arith.constant 1 : i32
        %get3A_264 = arith.index_cast %get3A_263 : i32 to index
        %get3A_265 = arith.index_cast %add3A_262 : i32 to index
        %get3A_266 = tpu.vector_load %arg5[%get3A_264, %get3A_265] {strides = array<i32>} : memref<2x1024xf32, #tpu.memory_space<vmem>>, vector<1x16xf32>,
        %get3A_267 = vector.shape_cast %get3A_266 : vector<1x16xf32> to vector<16xf32>
        %add3A_268 = arith.constant 96 : i32
        %add3A_269 = arith.addi %mul3A_114, %add3A_268 : i32
        %get3A_270 = arith.constant 1 : i32
        %get3A_271 = arith.index_cast %get3A_270 : i32 to index
        %get3A_272 = arith.index_cast %add3A_269 : i32 to index
        %get3A_273 = tpu.vector_load %arg5[%get3A_271, %get3A_272] {strides = array<i32>} : memref<2x1024xf32, #tpu.memory_space<vmem>>, vector<1x16xf32>,
        %get3A_274 = vector.shape_cast %get3A_273 : vector<1x16xf32> to vector<16xf32>
        %add3A_275 = arith.constant 112 : i32
        %add3A_276 = arith.addi %mul3A_114, %add3A_275 : i32
        %get3A_277 = arith.constant 1 : i32
        %get3A_278 = arith.index_cast %get3A_277 : i32 to index
        %get3A_279 = arith.index_cast %add3A_276 : i32 to index
        %get3A_280 = tpu.vector_load %arg5[%get3A_278, %get3A_279] {strides = array<i32>} : memref<2x1024xf32, #tpu.memory_space<vmem>>, vector<1x16xf32>,
        %get3A_281 = vector.shape_cast %get3A_280 : vector<1x16xf32> to vector<16xf32>
        %add3A_282 = arith.constant 128 : i32
        %add3A_283 = arith.addi %mul3A_114, %add3A_282 : i32
        %get3A_284 = arith.constant 1 : i32
        %get3A_285 = arith.index_cast %get3A_284 : i32 to index
        %get3A_286 = arith.index_cast %add3A_283 : i32 to index
        %get3A_287 = tpu.vector_load %arg5[%get3A_285, %get3A_286] {strides = array<i32>} : memref<2x1024xf32, #tpu.memory_space<vmem>>, vector<1x16xf32>,
        %get3A_288 = vector.shape_cast %get3A_287 : vector<1x16xf32> to vector<16xf32>
        %add3A_289 = arith.constant 144 : i32
        %add3A_290 = arith.addi %mul3A_114, %add3A_289 : i32
        %get3A_291 = arith.constant 1 : i32
        %get3A_292 = arith.index_cast %get3A_291 : i32 to index
        %get3A_293 = arith.index_cast %add3A_290 : i32 to index
        %get3A_294 = tpu.vector_load %arg5[%get3A_292, %get3A_293] {strides = array<i32>} : memref<2x1024xf32, #tpu.memory_space<vmem>>, vector<1x16xf32>,
        %get3A_295 = vector.shape_cast %get3A_294 : vector<1x16xf32> to vector<16xf32>
        %add3A_296 = arith.constant 160 : i32
        %add3A_297 = arith.addi %mul3A_114, %add3A_296 : i32
        %get3A_298 = arith.constant 1 : i32
        %get3A_299 = arith.index_cast %get3A_298 : i32 to index
        %get3A_300 = arith.index_cast %add3A_297 : i32 to index
        %get3A_301 = tpu.vector_load %arg5[%get3A_299, %get3A_300] {strides = array<i32>} : memref<2x1024xf32, #tpu.memory_space<vmem>>, vector<1x16xf32>,
        %get3A_302 = vector.shape_cast %get3A_301 : vector<1x16xf32> to vector<16xf32>
        %add3A_303 = arith.constant 176 : i32
        %add3A_304 = arith.addi %mul3A_114, %add3A_303 : i32
        %get3A_305 = arith.constant 1 : i32
        %get3A_306 = arith.index_cast %get3A_305 : i32 to index
        %get3A_307 = arith.index_cast %add3A_304 : i32 to index
        %get3A_308 = tpu.vector_load %arg5[%get3A_306, %get3A_307] {strides = array<i32>} : memref<2x1024xf32, #tpu.memory_space<vmem>>, vector<1x16xf32>,
        %get3A_309 = vector.shape_cast %get3A_308 : vector<1x16xf32> to vector<16xf32>
        %add3A_310 = arith.constant 192 : i32
        %add3A_311 = arith.addi %mul3A_114, %add3A_310 : i32
        %get3A_312 = arith.constant 1 : i32
        %get3A_313 = arith.index_cast %get3A_312 : i32 to index
        %get3A_314 = arith.index_cast %add3A_311 : i32 to index
        %get3A_315 = tpu.vector_load %arg5[%get3A_313, %get3A_314] {strides = array<i32>} : memref<2x1024xf32, #tpu.memory_space<vmem>>, vector<1x16xf32>,
        %get3A_316 = vector.shape_cast %get3A_315 : vector<1x16xf32> to vector<16xf32>
        %add3A_317 = arith.constant 208 : i32
        %add3A_318 = arith.addi %mul3A_114, %add3A_317 : i32
        %get3A_319 = arith.constant 1 : i32
        %get3A_320 = arith.index_cast %get3A_319 : i32 to index
        %get3A_321 = arith.index_cast %add3A_318 : i32 to index
        %get3A_322 = tpu.vector_load %arg5[%get3A_320, %get3A_321] {strides = array<i32>} : memref<2x1024xf32, #tpu.memory_space<vmem>>, vector<1x16xf32>,
        %get3A_323 = vector.shape_cast %get3A_322 : vector<1x16xf32> to vector<16xf32>
        %add3A_324 = arith.constant 224 : i32
        %add3A_325 = arith.addi %mul3A_114, %add3A_324 : i32
        %get3A_326 = arith.constant 1 : i32
        %get3A_327 = arith.index_cast %get3A_326 : i32 to index
        %get3A_328 = arith.index_cast %add3A_325 : i32 to index
        %get3A_329 = tpu.vector_load %arg5[%get3A_327, %get3A_328] {strides = array<i32>} : memref<2x1024xf32, #tpu.memory_space<vmem>>, vector<1x16xf32>,
        %get3A_330 = vector.shape_cast %get3A_329 : vector<1x16xf32> to vector<16xf32>
        %add3A_331 = arith.constant 240 : i32
        %add3A_332 = arith.addi %mul3A_114, %add3A_331 : i32
        %get3A_333 = arith.constant 1 : i32
        %get3A_334 = arith.index_cast %get3A_333 : i32 to index
        %get3A_335 = arith.index_cast %add3A_332 : i32 to index
        %get3A_336 = tpu.vector_load %arg5[%get3A_334, %get3A_335] {strides = array<i32>} : memref<2x1024xf32, #tpu.memory_space<vmem>>, vector<1x16xf32>,
        %get3A_337 = vector.shape_cast %get3A_336 : vector<1x16xf32> to vector<16xf32>
        %scan3A_338 = arith.constant 0 : i32
        %scan3A_339 = arith.constant 0 : i32
        %scan3A_340 = arith.constant 32 : i32
        %scan3A_341 = arith.addi %scan3A_339, %scan3A_340 : i32
        %scan3A_342 = arith.constant 1 : i32
        scf.for %scan3A_344 = %scan3A_339 to %scan3A_341 step %scan3A_342  : i32 {
          %mul3A_345 = arith.constant 16 : i32
          %mul3A_346 = arith.muli %scan3A_344, %mul3A_345 : i32
          %get3A_347 = arith.index_cast %mul3A_346 : i32 to index
          %get3A_348 = tpu.vector_load %arg7[%get3A_347] {strides = array<i32>} : memref<512xi32, #tpu.memory_space<vmem>>, vector<16xi32>,
          %get3A_349 = vector.shape_cast %get3A_348 : vector<16xi32> to vector<16xi32>
          %eq3A_350 = arith.constant 0 : i32
          %eq3A_351 = vector.broadcast %eq3A_350 : i32 to vector<16xi32>
          %eq3A_352 = arith.cmpi eq, %get3A_349, %eq3A_351 : vector<16xi32>
          %select_n3A_353 = arith.select %eq3A_352, %get3A_120, %get3A_232 : vector<16xi1>, vector<16xf32>
          %add3A_354 = arith.constant 0 : i32
          %add3A_355 = arith.addi %mul3A_114, %add3A_354 : i32
          %swap3A = arith.index_cast %scan3A_344 : i32 to index
          %swap3A_356 = arith.index_cast %add3A_355 : i32 to index
          %swap3A_357 = tpu.vector_load %arg9[%swap3A, %swap3A_356] {strides = array<i32>} : memref<32x1024xf32, #tpu.memory_space<vmem>>, vector<1x16xf32>,
          %swap3A_358 = vector.shape_cast %swap3A_357 : vector<1x16xf32> to vector<16xf32>
          %swap3A_359 = vector.shape_cast %select_n3A_353 : vector<16xf32> to vector<1x16xf32>
          tpu.vector_store %arg9[%swap3A, %swap3A_356], %swap3A_359 {strides = array<i32>} : memref<32x1024xf32, #tpu.memory_space<vmem>>, vector<1x16xf32>,
          %select_n3A_360 = arith.select %eq3A_352, %get3A_127, %get3A_239 : vector<16xi1>, vector<16xf32>
          %add3A_361 = arith.constant 16 : i32
          %add3A_362 = arith.addi %mul3A_114, %add3A_361 : i32
          %swap3A_363 = arith.index_cast %scan3A_344 : i32 to index
          %swap3A_364 = arith.index_cast %add3A_362 : i32 to index
          %swap3A_365 = tpu.vector_load %arg9[%swap3A_363, %swap3A_364] {strides = array<i32>} : memref<32x1024xf32, #tpu.memory_space<vmem>>, vector<1x16xf32>,
          %swap3A_366 = vector.shape_cast %swap3A_365 : vector<1x16xf32> to vector<16xf32>
          %swap3A_367 = vector.shape_cast %select_n3A_360 : vector<16xf32> to vector<1x16xf32>
          tpu.vector_store %arg9[%swap3A_363, %swap3A_364], %swap3A_367 {strides = array<i32>} : memref<32x1024xf32, #tpu.memory_space<vmem>>, vector<1x16xf32>,
          %select_n3A_368 = arith.select %eq3A_352, %get3A_134, %get3A_246 : vector<16xi1>, vector<16xf32>
          %add3A_369 = arith.constant 32 : i32
          %add3A_370 = arith.addi %mul3A_114, %add3A_369 : i32
          %swap3A_371 = arith.index_cast %scan3A_344 : i32 to index
          %swap3A_372 = arith.index_cast %add3A_370 : i32 to index
          %swap3A_373 = tpu.vector_load %arg9[%swap3A_371, %swap3A_372] {strides = array<i32>} : memref<32x1024xf32, #tpu.memory_space<vmem>>, vector<1x16xf32>,
          %swap3A_374 = vector.shape_cast %swap3A_373 : vector<1x16xf32> to vector<16xf32>
          %swap3A_375 = vector.shape_cast %select_n3A_368 : vector<16xf32> to vector<1x16xf32>
          tpu.vector_store %arg9[%swap3A_371, %swap3A_372], %swap3A_375 {strides = array<i32>} : memref<32x1024xf32, #tpu.memory_space<vmem>>, vector<1x16xf32>,
          %select_n3A_376 = arith.select %eq3A_352, %get3A_141, %get3A_253 : vector<16xi1>, vector<16xf32>
          %add3A_377 = arith.constant 48 : i32
          %add3A_378 = arith.addi %mul3A_114, %add3A_377 : i32
          %swap3A_379 = arith.index_cast %scan3A_344 : i32 to index
          %swap3A_380 = arith.index_cast %add3A_378 : i32 to index
          %swap3A_381 = tpu.vector_load %arg9[%swap3A_379, %swap3A_380] {strides = array<i32>} : memref<32x1024xf32, #tpu.memory_space<vmem>>, vector<1x16xf32>,
          %swap3A_382 = vector.shape_cast %swap3A_381 : vector<1x16xf32> to vector<16xf32>
          %swap3A_383 = vector.shape_cast %select_n3A_376 : vector<16xf32> to vector<1x16xf32>
          tpu.vector_store %arg9[%swap3A_379, %swap3A_380], %swap3A_383 {strides = array<i32>} : memref<32x1024xf32, #tpu.memory_space<vmem>>, vector<1x16xf32>,
          %select_n3A_384 = arith.select %eq3A_352, %get3A_148, %get3A_260 : vector<16xi1>, vector<16xf32>
          %add3A_385 = arith.constant 64 : i32
          %add3A_386 = arith.addi %mul3A_114, %add3A_385 : i32
          %swap3A_387 = arith.index_cast %scan3A_344 : i32 to index
          %swap3A_388 = arith.index_cast %add3A_386 : i32 to index
          %swap3A_389 = tpu.vector_load %arg9[%swap3A_387, %swap3A_388] {strides = array<i32>} : memref<32x1024xf32, #tpu.memory_space<vmem>>, vector<1x16xf32>,
          %swap3A_390 = vector.shape_cast %swap3A_389 : vector<1x16xf32> to vector<16xf32>
          %swap3A_391 = vector.shape_cast %select_n3A_384 : vector<16xf32> to vector<1x16xf32>
          tpu.vector_store %arg9[%swap3A_387, %swap3A_388], %swap3A_391 {strides = array<i32>} : memref<32x1024xf32, #tpu.memory_space<vmem>>, vector<1x16xf32>,
          %select_n3A_392 = arith.select %eq3A_352, %get3A_155, %get3A_267 : vector<16xi1>, vector<16xf32>
          %add3A_393 = arith.constant 80 : i32
          %add3A_394 = arith.addi %mul3A_114, %add3A_393 : i32
          %swap3A_395 = arith.index_cast %scan3A_344 : i32 to index
          %swap3A_396 = arith.index_cast %add3A_394 : i32 to index
          %swap3A_397 = tpu.vector_load %arg9[%swap3A_395, %swap3A_396] {strides = array<i32>} : memref<32x1024xf32, #tpu.memory_space<vmem>>, vector<1x16xf32>,
          %swap3A_398 = vector.shape_cast %swap3A_397 : vector<1x16xf32> to vector<16xf32>
          %swap3A_399 = vector.shape_cast %select_n3A_392 : vector<16xf32> to vector<1x16xf32>
          tpu.vector_store %arg9[%swap3A_395, %swap3A_396], %swap3A_399 {strides = array<i32>} : memref<32x1024xf32, #tpu.memory_space<vmem>>, vector<1x16xf32>,
          %select_n3A_400 = arith.select %eq3A_352, %get3A_162, %get3A_274 : vector<16xi1>, vector<16xf32>
          %add3A_401 = arith.constant 96 : i32
          %add3A_402 = arith.addi %mul3A_114, %add3A_401 : i32
          %swap3A_403 = arith.index_cast %scan3A_344 : i32 to index
          %swap3A_404 = arith.index_cast %add3A_402 : i32 to index
          %swap3A_405 = tpu.vector_load %arg9[%swap3A_403, %swap3A_404] {strides = array<i32>} : memref<32x1024xf32, #tpu.memory_space<vmem>>, vector<1x16xf32>,
          %swap3A_406 = vector.shape_cast %swap3A_405 : vector<1x16xf32> to vector<16xf32>
          %swap3A_407 = vector.shape_cast %select_n3A_400 : vector<16xf32> to vector<1x16xf32>
          tpu.vector_store %arg9[%swap3A_403, %swap3A_404], %swap3A_407 {strides = array<i32>} : memref<32x1024xf32, #tpu.memory_space<vmem>>, vector<1x16xf32>,
          %select_n3A_408 = arith.select %eq3A_352, %get3A_169, %get3A_281 : vector<16xi1>, vector<16xf32>
          %add3A_409 = arith.constant 112 : i32
          %add3A_410 = arith.addi %mul3A_114, %add3A_409 : i32
          %swap3A_411 = arith.index_cast %scan3A_344 : i32 to index
          %swap3A_412 = arith.index_cast %add3A_410 : i32 to index
          %swap3A_413 = tpu.vector_load %arg9[%swap3A_411, %swap3A_412] {strides = array<i32>} : memref<32x1024xf32, #tpu.memory_space<vmem>>, vector<1x16xf32>,
          %swap3A_414 = vector.shape_cast %swap3A_413 : vector<1x16xf32> to vector<16xf32>
          %swap3A_415 = vector.shape_cast %select_n3A_408 : vector<16xf32> to vector<1x16xf32>
          tpu.vector_store %arg9[%swap3A_411, %swap3A_412], %swap3A_415 {strides = array<i32>} : memref<32x1024xf32, #tpu.memory_space<vmem>>, vector<1x16xf32>,
          %select_n3A_416 = arith.select %eq3A_352, %get3A_176, %get3A_288 : vector<16xi1>, vector<16xf32>
          %add3A_417 = arith.constant 128 : i32
          %add3A_418 = arith.addi %mul3A_114, %add3A_417 : i32
          %swap3A_419 = arith.index_cast %scan3A_344 : i32 to index
          %swap3A_420 = arith.index_cast %add3A_418 : i32 to index
          %swap3A_421 = tpu.vector_load %arg9[%swap3A_419, %swap3A_420] {strides = array<i32>} : memref<32x1024xf32, #tpu.memory_space<vmem>>, vector<1x16xf32>,
          %swap3A_422 = vector.shape_cast %swap3A_421 : vector<1x16xf32> to vector<16xf32>
          %swap3A_423 = vector.shape_cast %select_n3A_416 : vector<16xf32> to vector<1x16xf32>
          tpu.vector_store %arg9[%swap3A_419, %swap3A_420], %swap3A_423 {strides = array<i32>} : memref<32x1024xf32, #tpu.memory_space<vmem>>, vector<1x16xf32>,
          %select_n3A_424 = arith.select %eq3A_352, %get3A_183, %get3A_295 : vector<16xi1>, vector<16xf32>
          %add3A_425 = arith.constant 144 : i32
          %add3A_426 = arith.addi %mul3A_114, %add3A_425 : i32
          %swap3A_427 = arith.index_cast %scan3A_344 : i32 to index
          %swap3A_428 = arith.index_cast %add3A_426 : i32 to index
          %swap3A_429 = tpu.vector_load %arg9[%swap3A_427, %swap3A_428] {strides = array<i32>} : memref<32x1024xf32, #tpu.memory_space<vmem>>, vector<1x16xf32>,
          %swap3A_430 = vector.shape_cast %swap3A_429 : vector<1x16xf32> to vector<16xf32>
          %swap3A_431 = vector.shape_cast %select_n3A_424 : vector<16xf32> to vector<1x16xf32>
          tpu.vector_store %arg9[%swap3A_427, %swap3A_428], %swap3A_431 {strides = array<i32>} : memref<32x1024xf32, #tpu.memory_space<vmem>>, vector<1x16xf32>,
          %select_n3A_432 = arith.select %eq3A_352, %get3A_190, %get3A_302 : vector<16xi1>, vector<16xf32>
          %add3A_433 = arith.constant 160 : i32
          %add3A_434 = arith.addi %mul3A_114, %add3A_433 : i32
          %swap3A_435 = arith.index_cast %scan3A_344 : i32 to index
          %swap3A_436 = arith.index_cast %add3A_434 : i32 to index
          %swap3A_437 = tpu.vector_load %arg9[%swap3A_435, %swap3A_436] {strides = array<i32>} : memref<32x1024xf32, #tpu.memory_space<vmem>>, vector<1x16xf32>,
          %swap3A_438 = vector.shape_cast %swap3A_437 : vector<1x16xf32> to vector<16xf32>
          %swap3A_439 = vector.shape_cast %select_n3A_432 : vector<16xf32> to vector<1x16xf32>
          tpu.vector_store %arg9[%swap3A_435, %swap3A_436], %swap3A_439 {strides = array<i32>} : memref<32x1024xf32, #tpu.memory_space<vmem>>, vector<1x16xf32>,
          %select_n3A_440 = arith.select %eq3A_352, %get3A_197, %get3A_309 : vector<16xi1>, vector<16xf32>
          %add3A_441 = arith.constant 176 : i32
          %add3A_442 = arith.addi %mul3A_114, %add3A_441 : i32
          %swap3A_443 = arith.index_cast %scan3A_344 : i32 to index
          %swap3A_444 = arith.index_cast %add3A_442 : i32 to index
          %swap3A_445 = tpu.vector_load %arg9[%swap3A_443, %swap3A_444] {strides = array<i32>} : memref<32x1024xf32, #tpu.memory_space<vmem>>, vector<1x16xf32>,
          %swap3A_446 = vector.shape_cast %swap3A_445 : vector<1x16xf32> to vector<16xf32>
          %swap3A_447 = vector.shape_cast %select_n3A_440 : vector<16xf32> to vector<1x16xf32>
          tpu.vector_store %arg9[%swap3A_443, %swap3A_444], %swap3A_447 {strides = array<i32>} : memref<32x1024xf32, #tpu.memory_space<vmem>>, vector<1x16xf32>,
          %select_n3A_448 = arith.select %eq3A_352, %get3A_204, %get3A_316 : vector<16xi1>, vector<16xf32>
          %add3A_449 = arith.constant 192 : i32
          %add3A_450 = arith.addi %mul3A_114, %add3A_449 : i32
          %swap3A_451 = arith.index_cast %scan3A_344 : i32 to index
          %swap3A_452 = arith.index_cast %add3A_450 : i32 to index
          %swap3A_453 = tpu.vector_load %arg9[%swap3A_451, %swap3A_452] {strides = array<i32>} : memref<32x1024xf32, #tpu.memory_space<vmem>>, vector<1x16xf32>,
          %swap3A_454 = vector.shape_cast %swap3A_453 : vector<1x16xf32> to vector<16xf32>
          %swap3A_455 = vector.shape_cast %select_n3A_448 : vector<16xf32> to vector<1x16xf32>
          tpu.vector_store %arg9[%swap3A_451, %swap3A_452], %swap3A_455 {strides = array<i32>} : memref<32x1024xf32, #tpu.memory_space<vmem>>, vector<1x16xf32>,
          %select_n3A_456 = arith.select %eq3A_352, %get3A_211, %get3A_323 : vector<16xi1>, vector<16xf32>
          %add3A_457 = arith.constant 208 : i32
          %add3A_458 = arith.addi %mul3A_114, %add3A_457 : i32
          %swap3A_459 = arith.index_cast %scan3A_344 : i32 to index
          %swap3A_460 = arith.index_cast %add3A_458 : i32 to index
          %swap3A_461 = tpu.vector_load %arg9[%swap3A_459, %swap3A_460] {strides = array<i32>} : memref<32x1024xf32, #tpu.memory_space<vmem>>, vector<1x16xf32>,
          %swap3A_462 = vector.shape_cast %swap3A_461 : vector<1x16xf32> to vector<16xf32>
          %swap3A_463 = vector.shape_cast %select_n3A_456 : vector<16xf32> to vector<1x16xf32>
          tpu.vector_store %arg9[%swap3A_459, %swap3A_460], %swap3A_463 {strides = array<i32>} : memref<32x1024xf32, #tpu.memory_space<vmem>>, vector<1x16xf32>,
          %select_n3A_464 = arith.select %eq3A_352, %get3A_218, %get3A_330 : vector<16xi1>, vector<16xf32>
          %add3A_465 = arith.constant 224 : i32
          %add3A_466 = arith.addi %mul3A_114, %add3A_465 : i32
          %swap3A_467 = arith.index_cast %scan3A_344 : i32 to index
          %swap3A_468 = arith.index_cast %add3A_466 : i32 to index
          %swap3A_469 = tpu.vector_load %arg9[%swap3A_467, %swap3A_468] {strides = array<i32>} : memref<32x1024xf32, #tpu.memory_space<vmem>>, vector<1x16xf32>,
          %swap3A_470 = vector.shape_cast %swap3A_469 : vector<1x16xf32> to vector<16xf32>
          %swap3A_471 = vector.shape_cast %select_n3A_464 : vector<16xf32> to vector<1x16xf32>
          tpu.vector_store %arg9[%swap3A_467, %swap3A_468], %swap3A_471 {strides = array<i32>} : memref<32x1024xf32, #tpu.memory_space<vmem>>, vector<1x16xf32>,
          %select_n3A_472 = arith.select %eq3A_352, %get3A_225, %get3A_337 : vector<16xi1>, vector<16xf32>
          %add3A_473 = arith.constant 240 : i32
          %add3A_474 = arith.addi %mul3A_114, %add3A_473 : i32
          %swap3A_475 = arith.index_cast %scan3A_344 : i32 to index
          %swap3A_476 = arith.index_cast %add3A_474 : i32 to index
          %swap3A_477 = tpu.vector_load %arg9[%swap3A_475, %swap3A_476] {strides = array<i32>} : memref<32x1024xf32, #tpu.memory_space<vmem>>, vector<1x16xf32>,
          %swap3A_478 = vector.shape_cast %swap3A_477 : vector<1x16xf32> to vector<16xf32>
          %swap3A_479 = vector.shape_cast %select_n3A_472 : vector<16xf32> to vector<1x16xf32>
          tpu.vector_store %arg9[%swap3A_475, %swap3A_476], %swap3A_479 {strides = array<i32>} : memref<32x1024xf32, #tpu.memory_space<vmem>>, vector<1x16xf32>,
        }
        %scan3A_343 = arith.constant 32 : i32
      }
      %scan3A_106 = arith.constant 4 : i32
      %add3A_107 = arith.addi %mul3A_2, %mul3A_94 : i32
      %dma_start3A_108 = arith.constant 0 : i32
      %dma_start3A_109 = tpu.memref_slice %arg4[%add3A_107, %dma_start3A_108] : memref<32768x1024xf32, #tpu.memory_space<hbm>> -> memref<32x1024xf32, #tpu.memory_space<hbm>>
      %dma_start3A_110 = arith.constant 0 : i32
      %dma_start3A_111 = tpu.memref_slice %arg4[%add3A_107, %dma_start3A_110] : memref<32768x1024xf32, #tpu.memory_space<hbm>> -> memref<32x1024xf32, #tpu.memory_space<hbm>>
      tpu.enqueue_dma source(%arg9 : memref<32x1024xf32, #tpu.memory_space<vmem>>) target(%dma_start3A_111 : memref<32x1024xf32, #tpu.memory_space<hbm>>) target_semaphore(%arg11 : memref<!tpu.dma_semaphore, #tpu.memory_space<semaphore_mem>>)
    }
    %scan3A_45 = arith.constant 16 : i32
    %dma_wait3A_46 = arith.constant 0 : i32
    %dma_wait3A_47 = arith.constant 0 : i32
    %dma_wait3A_48 = tpu.memref_slice %arg4[%dma_wait3A_46, %dma_wait3A_47] : memref<32768x1024xf32, #tpu.memory_space<hbm>> -> memref<32x1024xf32, #tpu.memory_space<hbm>>
    %dma_wait3A_49 = arith.constant 0 : i32
    %dma_wait3A_50 = arith.constant 0 : i32
    %dma_wait3A_51 = tpu.memref_slice %arg4[%dma_wait3A_49, %dma_wait3A_50] : memref<32768x1024xf32, #tpu.memory_space<hbm>> -> memref<32x1024xf32, #tpu.memory_space<hbm>>
    tpu.wait_dma2 semaphore(%arg10 : memref<!tpu.dma_semaphore, #tpu.memory_space<semaphore_mem>>) src(%arg8 : memref<32x1024xf32, #tpu.memory_space<vmem>>) dst(%dma_wait3A_51 : memref<32x1024xf32, #tpu.memory_space<hbm>>)
    %dma_wait3A_52 = arith.constant 0 : i32
    %dma_wait3A_53 = arith.constant 0 : i32
    %dma_wait3A_54 = tpu.memref_slice %arg4[%dma_wait3A_52, %dma_wait3A_53] : memref<32768x1024xf32, #tpu.memory_space<hbm>> -> memref<32x1024xf32, #tpu.memory_space<hbm>>
    %dma_wait3A_55 = arith.constant 0 : i32
    %dma_wait3A_56 = arith.constant 0 : i32
    %dma_wait3A_57 = tpu.memref_slice %arg4[%dma_wait3A_55, %dma_wait3A_56] : memref<32768x1024xf32, #tpu.memory_space<hbm>> -> memref<32x1024xf32, #tpu.memory_space<hbm>>
    tpu.wait_dma2 semaphore(%arg11 : memref<!tpu.dma_semaphore, #tpu.memory_space<semaphore_mem>>) src(%arg9 : memref<32x1024xf32, #tpu.memory_space<vmem>>) dst(%dma_wait3A_57 : memref<32x1024xf32, #tpu.memory_space<hbm>>)
    return
  }
}

</mosaic_0001>

<sc_bundles>
// kernel: kernel.3.cloned.1.call-start
scs
__scs_entry_jumppad:
0x0: {  	(pc) =	sbr.rel $0x88, $3  }
0x1: {  	(tag) =	ssettag $0x0;
	lr =	simm.s32 $0x1  }
0x2: {  	[smem:$0x3F9F] =	sst lr;
	_ =	strace $0xD0000000  }
0x3: {  	_ = 	snop  }
0x4: {  	_ = 	snop  }
0x5: {  	_ = 	snop  }
0x6: {  	_ = 	snop  }
0x7: {  	_ = 	snop  }
__scs_overlays_trampoline_lowered:
0x8: {  	[smem:$0x3FAE] =	sst s0  }
0x9: {  	[smem:$0x3FAF] =	sst s1  }
0xa: {  	[smem:$0x3FB0] =	sst s2  }
0xb: {  	[smem:$0x3FB1] =	sst s3  }
0xc: {  	[smem:$0x3FB2] =	sst s4  }
0xd: {  	[smem:$0x3FB3] =	sst s5  }
0xe: {  	[smem:$0x3FB4] =	sst s6  }
0xf: {  	[smem:$0x3FB5] =	sst s7  }
0x10: {  	[smem:$0x3FB6] =	sst s8  }
0x11: {  	[smem:$0x3FB7] =	sst s9;
	s0 =	simm.s32 @!p0 $0x0  }
0x12: {  	s1 =	sld [smem:$0x3F9D];
	s0 =	simm.s32 @p0 $0x1  }
0x13: {  	[smem:$0x3FB8] =	sst s0;
	s0 =	simm.s32 @!p1 $0x0  }
0x14: {  	s2 =	sld [smem:$0x3F9C];
	s0 =	simm.s32 @p1 $0x1  }
0x15: {  	[smem:$0x3FB9] =	sst s0;
	s0 =	simm.s32 @!p2 $0x0  }
0x16: {  	s3 =	sld [smem:$0x3FDB];
	s0 =	simm.s32 @p2 $0x1  }
0x17: {  	s4 =	simm.s32 $0x1BF5;
	[smem:$0x3FBB] =	sst s0  }
0x18: {  	s0 =	sld [smem:$0x3F9E];
	_ =	swait.ge [sflag:s4], $0x0  }
0x19: {  	s7 =	sld [smem:$0x3F9F]  }
0x1a: {  	s8 =	sadd.s32 $0xFFFFE003, lr  }
0x1b: {  	s9 =	sadd.s32 $0xFFFFFEF7, lr;
	s5 =	simm.s32 $0xFFFFFFFF;
	p2 =	slt.u32 s8, $0xFFFFF086  }
0x1c: {  	p1 =	slt.u32 s9, $0xF7A;
	s5 =	simm.s32 @!p2 $0x0  }
0x1d: {  	s5 =	simm.s32 @p1 $0x1;
	p0 =	seq.s32 s7, s2  }
0x1e: {  	s7 =	smul.u32 @!p0 $0xF7A, s2;
	p2 =	seq.s32 @!p0 s5, $0x0  }
0x1f: {  	s9 =	smul.u32 $0xF7A, s1;
	s8 =	simm.s32 @!p0 $0x1BF5;
	p2 =	por !p2, p0  }
0x20: {  	[sflag:s8] =	ssyncset.s32 @!p0 $0xFFFFF086;
	s6 =	sadd.s32 @!p0 s3, s7;
	s7 =	simm.s32 @!p0 $0x108  }
0x21: {  	s3 =	sadd.s32 s3, s9;
	s6 =	sadd.s32 @!p0 $0x88, s6;
	s7 =	simm.s32 @p2 $0x1082  }
0x22: {  	[simem:s7], [sflag:s8] =	dma.local @!p0 [hbm:s6], $0xF7A  }
0x23: {  	s9 =	sor.u32 $0xD0000000, s2;
	s6 =	simm.s32 $0x108;
	_ =	swait.ge @!p0 [sflag:s8], $0x0  }
0x24: {  	s3 =	sadd.s32 $0x88, s3;
	s6 =	simm.s32 @!p1 $0x1082;
	[sflag:s4] =	ssyncset.s32 $0xFFFFF086  }
0x25: {  	[simem:s6], [sflag:s4] =	dma.local [hbm:s3], $0xF7A  }
0x26: {  	[smem:$0x3F9F] =	sst s1;
	(tag) =	ssettag s2;
	_ =	strace s9  }
0x27: {  	s1 =	sld [smem:$0x3FAF]  }
0x28: {  	s2 =	sld [smem:$0x3FB0]  }
0x29: {  	s4 =	sld [smem:$0x3FB2]  }
0x2a: {  	p0 =	seq.s32 s5, $0x0;
	s5 =	sld [smem:$0x3FB3]  }
0x2b: {  	s6 =	sld [smem:$0x3FB4]  }
0x2c: {  	s7 =	sld [smem:$0x3FB5]  }
0x2d: {  	s3 =	simm.s32 $0x108;
	s8 =	sld [smem:$0x3FB6]  }
0x2e: {  	s3 =	simm.s32 @!p0 $0x1082;
	s9 =	sld [smem:$0x3FB7]  }
0x2f: {  	lr =	sadd.s32 s0, s3;
	s0 =	sld [smem:$0x3FAE]  }
0x30: {  	s3 =	sld [smem:$0x3FB1]  }
0x31: {  	[smem:$0x3FBA] =	sst s10  }
0x32: {  	s10 =	sld [smem:$0x3FB8];
	_ =	sdelay $0x3  }
0x33: {  	p0 =	seq.s32 s10, $0x1;
	s10 =	sld [smem:$0x3FBA];
	_ =	sdelay $0x3  }
0x34: {  	[smem:$0x3FBA] =	sst s10  }
0x35: {  	s10 =	sld [smem:$0x3FB9];
	_ =	sdelay $0x3  }
0x36: {  	p1 =	seq.s32 s10, $0x1;
	s10 =	sld [smem:$0x3FBA];
	_ =	sdelay $0x3  }
0x37: {  	[smem:$0x3FBA] =	sst s10  }
0x38: {  	s10 =	sld [smem:$0x3FBB]  }
0x39: {  	_ = 	snop;
	(pc) =	sbr.ind lr, $3  }
0x3a: {  	_ = 	snop  }
0x3b: {  	_ = 	snop  }
0x3c: {  	p2 =	seq.s32 s10, $0x1;
	s10 =	sld [smem:$0x3FBA]  }
0x3d: {  	_ =	shalt  }
0x3e: {  	_ =	shalt  }
0x3f: {  	_ =	shalt  }
0x40: {  	_ =	shalt  }
0x41: {  	_ =	shalt  }
0x42: {  	_ =	shalt  }
0x43: {  	_ =	shalt  }
0x44: {  	_ =	shalt  }
0x45: {  	_ =	shalt  }
0x46: {  	_ =	shalt  }
0x47: {  	_ =	shalt  }
0x48: {  	_ =	shalt  }
0x49: {  	_ =	shalt  }
0x4a: {  	_ =	shalt  }
0x4b: {  	_ =	shalt  }
0x4c: {  	_ =	shalt  }
0x4d: {  	_ =	shalt  }
0x4e: {  	_ =	shalt  }
0x4f: {  	_ =	shalt  }
0x50: {  	_ =	shalt  }
0x51: {  	_ =	shalt  }
0x52: {  	_ =	shalt  }
0x53: {  	_ =	shalt  }
0x54: {  	_ =	shalt  }
0x55: {  	_ =	shalt  }
0x56: {  	_ =	shalt  }
0x57: {  	_ =	shalt  }
0x58: {  	_ =	shalt  }
0x59: {  	_ =	shalt  }
0x5a: {  	_ =	shalt  }
0x5b: {  	_ =	shalt  }
0x5c: {  	_ =	shalt  }
0x5d: {  	_ =	shalt  }
0x5e: {  	_ =	shalt  }
0x5f: {  	_ =	shalt  }
0x60: {  	_ =	shalt  }
0x61: {  	_ =	shalt  }
0x62: {  	_ =	shalt  }
0x63: {  	_ =	shalt  }
0x64: {  	_ =	shalt  }
0x65: {  	_ =	shalt  }
0x66: {  	_ =	shalt  }
0x67: {  	_ =	shalt  }
0x68: {  	_ =	shalt  }
0x69: {  	_ =	shalt  }
0x6a: {  	_ =	shalt  }
0x6b: {  	_ =	shalt  }
0x6c: {  	_ =	shalt  }
0x6d: {  	_ =	shalt  }
0x6e: {  	_ =	shalt  }
0x6f: {  	_ =	shalt  }
0x70: {  	_ =	shalt  }
0x71: {  	_ =	shalt  }
0x72: {  	_ =	shalt  }
0x73: {  	_ =	shalt  }
0x74: {  	_ =	shalt  }
0x75: {  	_ =	shalt  }
0x76: {  	_ =	shalt  }
0x77: {  	_ =	shalt  }
0x78: {  	_ =	shalt  }
0x79: {  	_ =	shalt  }
0x7a: {  	_ =	shalt  }
0x7b: {  	_ =	shalt  }
0x7c: {  	_ =	shalt  }
0x7d: {  	_ =	shalt  }
0x7e: {  	_ =	shalt  }
0x7f: {  	_ =	shalt  }
0x80: {  	_ =	shalt  }
0x81: {  	_ =	shalt  }
0x82: {  	_ =	shalt  }
0x83: {  	_ =	shalt  }
0x84: {  	_ =	shalt  }
0x85: {  	_ =	shalt  }
0x86: {  	_ =	shalt  }
0x87: {  	_ =	shalt  }
.Lfunc_end0:
.L_simem_size_0:
called_computation_lowered:
.L_overlay_start_0:
0x88: {  	s2 =	sld [smem:$0x3FD9]  }
0x89: {  	s3 =	sld [smem:$0x3FFE];
	_ =	sdelay $0x1  }
0x8a: {  	s1 =	srdreg.scid  }
0x8b: {  	s0 =	sand.u32 $0x1, s1  }
0x8c: {  	s18 =	sshll.u32 s0, $0xA;
	s2 =	sadd.s32 s3, s2  }
0x8d: {  	s2 =	sadd.s32 s2, s18  }
0x8e: {  	[smem:$0x3FC6] =	sst s2  }
0x8f: {  	_ = 	snop  }
0x90: {  	s2 =	sld [smem:$0x3FC9]  }
0x91: {  	s19 =	sld [smem:$0x3FC8]  }
0x92: {  	s4 =	sld [smem:$0x3FD0];
	(tm) =	ssettm $0x1  }
0x93: {  	s5 =	sld [smem:$0x3FFB];
	_ =	sdelay $0x3  }
0x94: {  	_ =	strace s5  }
0x95: {  	s5 =	sld [smem:$0x3FFC];
	_ =	sdelay $0x3  }
0x96: {  	_ =	strace s5  }
0x97: {  	s5 =	sld [smem:$0x3FFD];
	_ =	sdelay $0x3  }
0x98: {  	_ =	strace s5  }
0x99: {  	_ =	strace $0x8FFFFFFF  }
0x9a: {  	s20 =	sld [smem:$0x3FDB];
	_ =	sdelay $0x1  }
0x9b: {  	s6 =	simm.s32 $_scs_section_size  }
0x9c: {  	s7 =	simm.s32 $_size__tile_overlayer_lowered;
	s8 =	simm.s32 $_tile_overlayer_lowered  }
0x9d: {  	s23 =	simm.s32 $0x1BFF;
	s22 =	sshll.u32 s8, $0x1;
	s5 =	sadd.s32 s6, s20  }
0x9e: {  	s9 =	simm.s32 $0x0;
	s21 =	sshll.u32 s7, $0x1;
	s7 =	sadd.s32 s22, s5  }
0x9f: {  	[timem:s9], [sflag:s23] =	dma.local [hbm:s7], s21  }
0xa0: {  	_ =	swait.ge [sflag:s23], s21  }
0xa1: {  	s6 =	ssub.s32 $0x0, s21;
	[sflag:s23] =	ssyncset.done $0x0  }
0xa2: {  	[sflag:s23] =	ssyncadd.s32 s6;
	_ =	sdelay $0x1  }
0xa3: {  	s24 =	simm.s32 $0x1B8B  }
0xa4: {  	_ =	swait.ge [sflag:s24], $0x1  }
0xa5: {  	[sflag:s24] =	ssyncset.done $0x0  }
0xa6: {  	s25 =	simm.s32 $0x1B8E;
	[sflag:s24] =	ssyncadd.s32 $0xFFFFFFFF  }
0xa7: {  	s26 =	simm.s32 $execute0_lowered;
	[smem:$0x3FD2] =	sst s25  }
0xa8: {  	s6 =	sshll.u32 s26, $0x1;
	_ =	strace $0x80000046;
	[dreg:$0x1] =	wrdreg $0xFFFFFFFF  }
0xa9: {  	s28 =	simm.s32 $_size_execute0_lowered;
	s5 =	sadd.s32 s5, s6;
	[dreg:$0x0] =	wrdreg $0x0  }
0xaa: {  	s6 =	sshll.u32 s28, $0x1;
	[dreg:$0x2] =	wrdreg s5  }
0xab: {  	[dreg:$0x3] =	wrdreg s6  }
0xac: {  	[dreg:$0x4] =	wrdreg $0xC0  }
0xad: {  	_ =	task [dreg:s9], $0x5FFFF  }
0xae: {  	[dreg:$0x1] =	wrdreg $0xFFFFFFFF  }
0xaf: {  	[dreg:$0x0] =	wrdreg $0x60  }
0xb0: {  	[dreg:$0x2] =	wrdreg s2  }
0xb1: {  	[dreg:$0x3] =	wrdreg s19  }
0xb2: {  	[dreg:$0x4] =	wrdreg s4  }
0xb3: {  	[dreg:$0x5] =	wrdreg $0x9  }
0xb4: {  	_ =	task.clear_ibuf [dreg:s9], $0x6FFFF;
	_ =	strace $0x90000046  }
0xb5: {  	s29 =	simm.s32 $0x9;
	_ =	strace $0x80000048  }
0xb6: {  	_ =	swait.ge [sflag:s29], $0x1  }
0xb7: {  	[sflag:s29] =	ssyncadd.s32 $0xFFFFFFFF  }
0xb8: {  	_ =	strace $0x90000048  }
0xb9: {  	_ =	sfence  }
0xba: {  	s30 =	sld [smem:$0x0];
	_ =	sdelay $0x2  }
0xbb: {  	s31 =	sshll.u32 s1, $0xD;
	s1 =	sshrl.u32 s1, $0x2  }
0xbc: {  	s3 =	sand.u32 $0x4000, s31;
	s1 =	sadd.s32 s1, s30  }
0xbd: {  	s0 =	sor.u32 s3, s0;
	s1 =	sshll.u32 s1, $0x11  }
0xbe: {  	s0 =	sor.u32 s1, s0  }
0xbf: {  	s0 =	sadd.s32 $0x8F2B, s0  }
0xc0: {  	[sflag:s0] =	ssyncadd.remote.s32 $0x1  }
0xc1: {  	_ =	sfence.sel $0xFFFF  }
0xc2: {  	[dreg:$0x0] =	wrdreg $0xFFFFFFFF;
	(pc) =	sbr.abs _section_cstart, $3  }
0xc3: {  	[dreg:$0x1] =	wrdreg $0xFFFFFFFF  }
0xc4: {  	_ =	task.clear_ibuf [dreg:s9], $0x2FFFF;
	_ =	strace $0x9FFFFFFF  }
0xc5: {  	(tm) =	ssettm $0x7FFFFFFF  }
tec
execute0_lowered:
.L_overlay_start_1:
0x0: {  	(tag) =	ssettag $0x1  }
0x1: {  	s5 =	rddreg [dreg:$0x0]  }
0x2: {  	s1 =	rddreg [dreg:$0x1]  }
0x3: {  	s2 =	rddreg [dreg:$0x2]  }
0x4: {  	s0 =	rddreg [dreg:$0x3];
	s4 =	simm.s32 $0x0  }
0x5: {  	s6 =	srdreg.scid;
	s3 =	stileid.u32;
	s11 =	simm.s32 $0x3  }
0x6: {  	s12 =	simm.s32 $0xE00;
	s13 =	simm.s32 $0x8E00;
	s14 =	simm.s32 $0x1  }
0x7: {  	s15 =	simm.s32 $0x2;
	s16 =	simm.s32 $0x0;
	[smem:$0x7FF] =	sst s4  }
0x8: {  	v0 =	vimm.s32 $0x0;
	s6 =	sand.u32 $0x1, s6;
	s7 =	sshll.u32 s3, $0x1;
	s30 =	sshll.u32 s3, $0x2  }
0x9: {  	v1 =	vimm.s32 $0x1;
	v2 =	vimm.s32 $0x2;
	v3 =	vimm.s32 $0x3;
	_ =	strace $0x80000047;
	s8 =	ssub.s32 $0x2, s6;
	s6 =	sor.u32 s6, s7  }
0xa: {  	v4 =	vimm.s32 $0x4;
	v5 =	vimm.s32 $0x5;
	v6 =	vimm.s32 $0x6;
	s7 =	sand.u32 $0x30, s30;
	s9 =	sshrl.u32 s8, $0x1;
	s10 =	sshll.u32 s6, $0x9  }
0xb: {  	v7 =	vimm.s32 $0x7;
	v8 =	vimm.s32 $0x8;
	v9 =	vimm.s32 $0x9;
	s7 =	sadd.s32 s5, s7;
	s5 =	sshll.u32 s6, $0xA;
	s8 =	ssub.s32 s8, s9  }
0xc: {  	v10 =	vimm.s32 $0xA;
	v11 =	vimm.s32 $0xB;
	v12 =	vimm.s32 $0xC;
	s31 =	sand.u32 $0xE00, s10;
	s9 =	simm.s32 $0x200;
	s10 =	simm.s32 $0x800  }
0xd: {  	v13 =	vimm.s32 $0xD;
	v14 =	vimm.s32 $0xE;
	v15 =	vimm.s32 $0xF;
	s6 =	sadd.s32 s31, s7;
	s7 =	smax.u32 s8, $0x1;
	s8 =	simm.s32 $0x80  }
.LBB2_1:
0xe: {  	[tilespmem:s4], [sflag:$0x3] =	stream.linear.gather [hbm4b:s1+s4], $0x800, $0x38;
	[tilespmem:$0x10E00] =	vst v63  }
0xf: {  	_ = 	snop  }
0x10: {  	[tilespmem:s10], [sflag:$0x3] =	stream.strided.gather [hbm4b:s6+s8], $0x400, s9, s8, $0x38;
	[tilespmem:$0x10E00] =	vst v63  }
0x11: {  	_ =	swait.ge [sflag:s11], $0x800  }
0x12: {  	[sflag:s11] =	ssyncset.done $0x0  }
0x13: {  	[sflag:s11] =	ssyncadd.s32 $0xFFFFF800  }
0x14: {  	_ =	swait.ge [sflag:s11], $0x400  }
0x15: {  	[sflag:s11] =	ssyncset.done $0x0  }
0x16: {  	s17 =	simm.s32 $0x0;
	[sflag:s11] =	ssyncadd.s32 $0xFFFFFC00  }
.LBB2_2:
0x17: {  	p0 =	seq.s32 s17, $0x0  }
0x18: {  	s18 =	simm.s32 @!p0 $0x1  }
0x19: {  	_ =	swait.ge @!p0 [sflag:s18], $0x8000  }
0x1a: {  	[sflag:s18] =	ssyncset.done @!p0 $0x0  }
0x1b: {  	[sflag:s18] =	ssyncadd.s32 @!p0 $0xFFFF8000;
	s18 =	sshll.u32 s17, $0x6  }
0x1c: {  	v16 =	vld [tilespmem:s18+$0x800];
	_ =	sdelay $0x4  }
0x1d: {  	v17 =	vperm.xlane v16, v0  }
0x1e: {  	v18 =	vperm.xlane v16, v1  }
0x1f: {  	[tilespmem:$0xC00] =	vst v17;
	v17 =	vperm.xlane v16, v2  }
0x20: {  	v51 =	vperm.xlane v16, v3;
	[tilespmem:$0xC10] =	vst v18  }
0x21: {  	[tilespmem:$0xC20] =	vst v17;
	v17 =	vperm.xlane v16, v4  }
0x22: {  	v52 =	vperm.xlane v16, v5;
	[tilespmem:$0xC30] =	vst v51  }
0x23: {  	[tilespmem:$0xC40] =	vst v17;
	v17 =	vperm.xlane v16, v6  }
0x24: {  	v53 =	vperm.xlane v16, v7;
	[tilespmem:$0xC50] =	vst v52  }
0x25: {  	[tilespmem:$0xC60] =	vst v17;
	v17 =	vperm.xlane v16, v8  }
0x26: {  	v54 =	vperm.xlane v16, v9;
	[tilespmem:$0xC70] =	vst v53  }
0x27: {  	[tilespmem:$0xC80] =	vst v17;
	v17 =	vperm.xlane v16, v10  }
0x28: {  	v55 =	vperm.xlane v16, v11;
	[tilespmem:$0xC90] =	vst v54  }
0x29: {  	[tilespmem:$0xCA0] =	vst v17;
	v17 =	vperm.xlane v16, v12  }
0x2a: {  	v56 =	vperm.xlane v16, v13;
	[tilespmem:$0xCB0] =	vst v55  }
0x2b: {  	[tilespmem:$0xCC0] =	vst v17;
	v17 =	vperm.xlane v16, v14  }
0x2c: {  	[tilespmem:$0xCD0] =	vst v56;
	v16 =	vperm.xlane v16, v15  }
0x2d: {  	[tilespmem:$0xCE0] =	vst v17  }
0x2e: {  	[tilespmem:$0xCF0] =	vst v16  }
0x2f: {  	v16 =	vld [tilespmem:s18+$0x810];
	_ =	sdelay $0x4  }
0x30: {  	v17 =	vperm.xlane v16, v0  }
0x31: {  	v57 =	vperm.xlane v16, v1  }
0x32: {  	[tilespmem:$0xD00] =	vst v17;
	v17 =	vperm.xlane v16, v2  }
0x33: {  	v58 =	vperm.xlane v16, v3;
	[tilespmem:$0xD10] =	vst v57  }
0x34: {  	[tilespmem:$0xD20] =	vst v17;
	v17 =	vperm.xlane v16, v4  }
0x35: {  	v59 =	vperm.xlane v16, v5;
	[tilespmem:$0xD30] =	vst v58  }
0x36: {  	[tilespmem:$0xD40] =	vst v17;
	v17 =	vperm.xlane v16, v6  }
0x37: {  	v60 =	vperm.xlane v16, v7;
	[tilespmem:$0xD50] =	vst v59  }
0x38: {  	[tilespmem:$0xD60] =	vst v17;
	v17 =	vperm.xlane v16, v8  }
0x39: {  	v61 =	vperm.xlane v16, v9;
	[tilespmem:$0xD70] =	vst v60  }
0x3a: {  	[tilespmem:$0xD80] =	vst v17;
	v17 =	vperm.xlane v16, v10  }
0x3b: {  	v62 =	vperm.xlane v16, v11;
	[tilespmem:$0xD90] =	vst v61  }
0x3c: {  	[tilespmem:$0xDA0] =	vst v17;
	v17 =	vperm.xlane v16, v12  }
0x3d: {  	v63 =	vperm.xlane v16, v13;
	[tilespmem:$0xDB0] =	vst v62  }
0x3e: {  	[tilespmem:$0xDC0] =	vst v17;
	v17 =	vperm.xlane v16, v14  }
0x3f: {  	[tilespmem:$0xDD0] =	vst v63;
	v16 =	vperm.xlane v16, v15  }
0x40: {  	[tilespmem:$0xDE0] =	vst v17  }
0x41: {  	s19 =	simm.s32 $0x0;
	s20 =	simm.s32 $0x0;
	[tilespmem:$0xDF0] =	vst v16  }
.LBB2_3:
0x42: {  	s21 =	sshll.u32 s20, $0x9  }
0x43: {  	s21 =	sand.u32 $0x3FFFFE00, s21  }
0x44: {  	v23 =	vld [tilespmem:s21+$0x0]  }
0x45: {  	v24 =	vld [tilespmem:s21+$0x10]  }
0x46: {  	v26 =	vld [tilespmem:s21+$0x20]  }
0x47: {  	v27 =	vld [tilespmem:s21+$0x30]  }
0x48: {  	v18 =	vld [tilespmem:s21+$0x40]  }
0x49: {  	v21 =	vld [tilespmem:s21+$0x50]  }
0x4a: {  	v28 =	vld [tilespmem:s21+$0x60]  }
0x4b: {  	v31 =	vld [tilespmem:s21+$0x70]  }
0x4c: {  	v39 =	vld [tilespmem:s21+$0x80]  }
0x4d: {  	v40 =	vld [tilespmem:s21+$0x90]  }
0x4e: {  	v41 =	vld [tilespmem:s21+$0xA0]  }
0x4f: {  	v43 =	vld [tilespmem:s21+$0xB0]  }
0x50: {  	v35 =	vld [tilespmem:s21+$0xC0]  }
0x51: {  	s23 =	sshllo.u32 s20, $0x1;
	v38 =	vld [tilespmem:s21+$0xD0]  }
0x52: {  	s22 =	sshll.u32 s23, $0x8;
	v42 =	vld [tilespmem:s21+$0xE0]  }
0x53: {  	s24 =	sand.u32 $0x3FFFFF00, s22;
	v45 =	vld [tilespmem:s21+$0xF0]  }
0x54: {  	v22 =	vld [tilespmem:s24+$0x0]  }
0x55: {  	v33 =	vld [tilespmem:s24+$0x10]  }
0x56: {  	v19 =	vld [tilespmem:s24+$0x20]  }
0x57: {  	v17 =	vld [tilespmem:s24+$0x30]  }
0x58: {  	v16 =	vld [tilespmem:s24+$0x40]  }
0x59: {  	v20 =	vld [tilespmem:s24+$0x50]  }
0x5a: {  	v25 =	vld [tilespmem:s24+$0x60]  }
0x5b: {  	v29 =	vld [tilespmem:s24+$0x70]  }
0x5c: {  	s21 =	simm.s32 $0xC00;
	v36 =	vld [tilespmem:s24+$0x80]  }
0x5d: {  	v47 =	vld [tilespmem:s21+$0x0]  }
0x5e: {  	v46 =	vld [tilespmem:s24+$0x90]  }
0x5f: {  	v34 =	vld [tilespmem:s24+$0xA0]  }
0x60: {  	s31 =	sshll.u32 s20, $0xD;
	s25 =	sand.u32 $0x6000, s19;
	v32 =	vld [tilespmem:s24+$0xB0]  }
0x61: {  	s25 =	sor.u32 $0xE00, s25;
	s22 =	sshrl.u32 s31, $0x2;
	v30 =	vld [tilespmem:s24+$0xC0]  }
0x62: {  	s26 =	sand.u32 $0x380, s19;
	s23 =	sshll.u32 s23, $0xC;
	v37 =	vld [tilespmem:s24+$0xD0];
	s28 =	sadd.s32 s22, s25;
	vm0 =	veq.s32 v47, $0x0  }
0x63: {  	s23 =	sshrl.u32 s23, $0x2;
	v44 =	vld [tilespmem:s24+$0xE0];
	s29 =	sadd.s32 s26, s28;
	v49 =	vsel vm0, v23, v39;
	v51 =	vsel vm0, v24, v40;
	v48 =	vsel vm0, v33, v46  }
0x64: {  	s28 =	sadd.s32 s23, s25;
	s25 =	simm.s32 $0x0;
	v47 =	vld [tilespmem:s24+$0xF0];
	s24 =	simm.s32 $0x400;
	v50 =	vsel vm0, v26, v41;
	v52 =	vsel vm0, v31, v45;
	[tilespmem:s29+$0x0] =	vst v49;
	v49 =	vsel vm0, v27, v43  }
.LBB2_4:
0x65: {  	p1 =	sne.s32 s24, $0x7C00;
	[tilespmem:s29+$0x10] =	vst v51;
	v51 =	vsel vm0, v18, v35;
	v53 =	vsel vm0, v21, v38;
	v54 =	vsel vm0, v28, v42;
	s25 =	sadd.s32 $0x80, s25;
	s21 =	sadd.s32 $0x10, s21  }
0x66: {  	s30 =	smov.u32 s24;
	s24 =	sadd.s32 $0x400, s24;
	[tilespmem:s29+$0x70] =	vst v52  }
0x67: {  	[tilespmem:s29+$0x20] =	vst v50  }
0x68: {  	[tilespmem:s29+$0x60] =	vst v54  }
0x69: {  	[tilespmem:s29+$0x50] =	vst v53  }
0x6a: {  	[tilespmem:s29+$0x30] =	vst v49  }
0x6b: {  	s26 =	sadd.s32 s26, s28;
	v49 =	vsel vm0, v22, v36;
	[tilespmem:s29+$0x40] =	vst v51  }
0x6c: {  	[tilespmem:s26+$0x0] =	vst v49;
	v49 =	vsel vm0, v29, v47  }
0x6d: {  	v50 =	vsel vm0, v25, v44;
	[tilespmem:s26+$0x70] =	vst v49  }
0x6e: {  	v49 =	vsel vm0, v19, v34;
	[tilespmem:s26+$0x60] =	vst v50  }
0x6f: {  	[tilespmem:s26+$0x20] =	vst v49;
	v49 =	vsel vm0, v20, v37  }
0x70: {  	v50 =	vsel vm0, v17, v32;
	[tilespmem:s26+$0x50] =	vst v49  }
0x71: {  	v49 =	vsel vm0, v16, v30;
	[tilespmem:s26+$0x30] =	vst v50  }
0x72: {  	[tilespmem:s26+$0x40] =	vst v49  }
0x73: {  	[tilespmem:s26+$0x10] =	vst v48  }
0x74: {  	v48 =	vld [tilespmem:s21+$0x0];
	_ =	sdelay $0x2  }
.Ltmp0:
0x75: {  	s26 =	sand.u32 $0x6000, s30;
	(pc) =	sbr.rel @p1 .LBB2_4-.Ltmp0, $4  }
0x76: {  	s28 =	sor.u32 $0xE00, s26  }
0x77: {  	s26 =	sand.u32 $0x380, s25;
	s29 =	sadd.s32 s22, s28;
	s28 =	sadd.s32 s23, s28;
	vm0 =	veq.s32 v48, $0x0  }
0x78: {  	s29 =	sadd.s32 s26, s29;
	v49 =	vsel vm0, v23, v39;
	v51 =	vsel vm0, v24, v40;
	v48 =	vsel vm0, v33, v46  }
0x79: {  	v50 =	vsel vm0, v26, v41;
	v52 =	vsel vm0, v31, v45;
	[tilespmem:s29+$0x0] =	vst v49;
	v49 =	vsel vm0, v27, v43  }
0x7a: {  	[tilespmem:s29+$0x10] =	vst v51  }
0x7b: {  	[tilespmem:s29+$0x70] =	vst v52  }
0x7c: {  	[tilespmem:s29+$0x20] =	vst v50  }
0x7d: {  	v23 =	vsel vm0, v28, v42;
	[tilespmem:s29+$0x30] =	vst v49  }
0x7e: {  	v21 =	vsel vm0, v21, v38;
	[tilespmem:s29+$0x60] =	vst v23  }
0x7f: {  	v18 =	vsel vm0, v18, v35;
	[tilespmem:s29+$0x50] =	vst v21  }
0x80: {  	v59 =	vsel vm0, v22, v36;
	s21 =	sadd.s32 s26, s28;
	[tilespmem:s29+$0x40] =	vst v18  }
0x81: {  	v60 =	vsel vm0, v29, v47;
	[tilespmem:s21+$0x0] =	vst v59  }
0x82: {  	v61 =	vsel vm0, v25, v44;
	s20 =	sadd.s32 $0x1, s20;
	[tilespmem:s21+$0x70] =	vst v60  }
0x83: {  	v62 =	vsel vm0, v19, v34;
	p1 =	sne.s32 s20, $0x4;
	[tilespmem:s21+$0x60] =	vst v61  }
.Ltmp1:
0x84: {  	v63 =	vsel vm0, v20, v37;
	[tilespmem:s21+$0x20] =	vst v62;
	(pc) =	sbr.rel @p1 .LBB2_3-.Ltmp1, $4  }
0x85: {  	v17 =	vsel vm0, v17, v32;
	[tilespmem:s21+$0x50] =	vst v63  }
0x86: {  	v16 =	vsel vm0, v16, v30;
	[tilespmem:s21+$0x30] =	vst v17  }
0x87: {  	[tilespmem:s21+$0x40] =	vst v16  }
0x88: {  	[tilespmem:s21+$0x10] =	vst v48  }
0x89: {  	s19 =	sadd.s32 s5, s18  }
0x8a: {  	s19 =	sshll.u32 s19, $0x7  }
0x8b: {  	s19 =	sadd.s32 s2, s19  }
0x8c: {  	[hbm4b:s19+s4] =	stream.linear.scatter [tilespmem:s12], [sflag:$0x1], $0x8000, $0x38;
	[tilespmem:$0x10E00] =	vst v63  }
0x8d: {  	s19 =	simm.s32 @!p0 $0x2  }
0x8e: {  	_ =	swait.ge @!p0 [sflag:s19], $0x8000  }
0x8f: {  	[sflag:s19] =	ssyncset.done @!p0 $0x0  }
0x90: {  	s18 =	sor.u32 $0x20, s18;
	[sflag:s19] =	ssyncadd.s32 @!p0 $0xFFFF8000  }
0x91: {  	v16 =	vld [tilespmem:s18+$0x800];
	_ =	sdelay $0x4  }
0x92: {  	v17 =	vperm.xlane v16, v0  }
0x93: {  	v18 =	vperm.xlane v16, v1  }
0x94: {  	[tilespmem:$0xC00] =	vst v17;
	v17 =	vperm.xlane v16, v2  }
0x95: {  	v51 =	vperm.xlane v16, v3;
	[tilespmem:$0xC10] =	vst v18  }
0x96: {  	[tilespmem:$0xC20] =	vst v17;
	v17 =	vperm.xlane v16, v4  }
0x97: {  	v52 =	vperm.xlane v16, v5;
	[tilespmem:$0xC30] =	vst v51  }
0x98: {  	[tilespmem:$0xC40] =	vst v17;
	v17 =	vperm.xlane v16, v6  }
0x99: {  	v53 =	vperm.xlane v16, v7;
	[tilespmem:$0xC50] =	vst v52  }
0x9a: {  	[tilespmem:$0xC60] =	vst v17;
	v17 =	vperm.xlane v16, v8  }
0x9b: {  	v54 =	vperm.xlane v16, v9;
	[tilespmem:$0xC70] =	vst v53  }
0x9c: {  	[tilespmem:$0xC80] =	vst v17;
	v17 =	vperm.xlane v16, v10  }
0x9d: {  	v55 =	vperm.xlane v16, v11;
	[tilespmem:$0xC90] =	vst v54  }
0x9e: {  	[tilespmem:$0xCA0] =	vst v17;
	v17 =	vperm.xlane v16, v12  }
0x9f: {  	v56 =	vperm.xlane v16, v13;
	[tilespmem:$0xCB0] =	vst v55  }
0xa0: {  	[tilespmem:$0xCC0] =	vst v17;
	v17 =	vperm.xlane v16, v14  }
0xa1: {  	[tilespmem:$0xCD0] =	vst v56;
	v16 =	vperm.xlane v16, v15  }
0xa2: {  	[tilespmem:$0xCE0] =	vst v17  }
0xa3: {  	[tilespmem:$0xCF0] =	vst v16  }
0xa4: {  	v16 =	vld [tilespmem:s18+$0x810];
	_ =	sdelay $0x4  }
0xa5: {  	v17 =	vperm.xlane v16, v0  }
0xa6: {  	v57 =	vperm.xlane v16, v1  }
0xa7: {  	[tilespmem:$0xD00] =	vst v17;
	v17 =	vperm.xlane v16, v2  }
0xa8: {  	v58 =	vperm.xlane v16, v3;
	[tilespmem:$0xD10] =	vst v57  }
0xa9: {  	[tilespmem:$0xD20] =	vst v17;
	v17 =	vperm.xlane v16, v4  }
0xaa: {  	v59 =	vperm.xlane v16, v5;
	[tilespmem:$0xD30] =	vst v58  }
0xab: {  	[tilespmem:$0xD40] =	vst v17;
	v17 =	vperm.xlane v16, v6  }
0xac: {  	v60 =	vperm.xlane v16, v7;
	[tilespmem:$0xD50] =	vst v59  }
0xad: {  	[tilespmem:$0xD60] =	vst v17;
	v17 =	vperm.xlane v16, v8  }
0xae: {  	v61 =	vperm.xlane v16, v9;
	[tilespmem:$0xD70] =	vst v60  }
0xaf: {  	[tilespmem:$0xD80] =	vst v17;
	v17 =	vperm.xlane v16, v10  }
0xb0: {  	v62 =	vperm.xlane v16, v11;
	[tilespmem:$0xD90] =	vst v61  }
0xb1: {  	[tilespmem:$0xDA0] =	vst v17;
	v17 =	vperm.xlane v16, v12  }
0xb2: {  	v63 =	vperm.xlane v16, v13;
	[tilespmem:$0xDB0] =	vst v62  }
0xb3: {  	[tilespmem:$0xDC0] =	vst v17;
	v17 =	vperm.xlane v16, v14  }
0xb4: {  	[tilespmem:$0xDD0] =	vst v63;
	v16 =	vperm.xlane v16, v15  }
0xb5: {  	[tilespmem:$0xDE0] =	vst v17  }
0xb6: {  	s20 =	simm.s32 $0x0;
	s19 =	simm.s32 $0x0;
	[tilespmem:$0xDF0] =	vst v16  }
.LBB2_7:
0xb7: {  	s21 =	sshll.u32 s20, $0x9  }
0xb8: {  	s21 =	sand.u32 $0x3FFFFE00, s21  }
0xb9: {  	v23 =	vld [tilespmem:s21+$0x0]  }
0xba: {  	v24 =	vld [tilespmem:s21+$0x10]  }
0xbb: {  	v26 =	vld [tilespmem:s21+$0x20]  }
0xbc: {  	v27 =	vld [tilespmem:s21+$0x30]  }
0xbd: {  	v18 =	vld [tilespmem:s21+$0x40]  }
0xbe: {  	v21 =	vld [tilespmem:s21+$0x50]  }
0xbf: {  	v28 =	vld [tilespmem:s21+$0x60]  }
0xc0: {  	v31 =	vld [tilespmem:s21+$0x70]  }
0xc1: {  	v39 =	vld [tilespmem:s21+$0x80]  }
0xc2: {  	v40 =	vld [tilespmem:s21+$0x90]  }
0xc3: {  	v41 =	vld [tilespmem:s21+$0xA0]  }
0xc4: {  	v43 =	vld [tilespmem:s21+$0xB0]  }
0xc5: {  	v35 =	vld [tilespmem:s21+$0xC0]  }
0xc6: {  	s23 =	sshllo.u32 s20, $0x1;
	v38 =	vld [tilespmem:s21+$0xD0]  }
0xc7: {  	s22 =	sshll.u32 s23, $0x8;
	v42 =	vld [tilespmem:s21+$0xE0]  }
0xc8: {  	s24 =	sand.u32 $0x3FFFFF00, s22;
	v45 =	vld [tilespmem:s21+$0xF0]  }
0xc9: {  	v22 =	vld [tilespmem:s24+$0x0]  }
0xca: {  	v33 =	vld [tilespmem:s24+$0x10]  }
0xcb: {  	v19 =	vld [tilespmem:s24+$0x20]  }
0xcc: {  	v17 =	vld [tilespmem:s24+$0x30]  }
0xcd: {  	v16 =	vld [tilespmem:s24+$0x40]  }
0xce: {  	v20 =	vld [tilespmem:s24+$0x50]  }
0xcf: {  	v25 =	vld [tilespmem:s24+$0x60]  }
0xd0: {  	v29 =	vld [tilespmem:s24+$0x70]  }
0xd1: {  	s21 =	simm.s32 $0xC00;
	v36 =	vld [tilespmem:s24+$0x80]  }
0xd2: {  	v47 =	vld [tilespmem:s21+$0x0]  }
0xd3: {  	v46 =	vld [tilespmem:s24+$0x90]  }
0xd4: {  	v34 =	vld [tilespmem:s24+$0xA0]  }
0xd5: {  	s31 =	sshll.u32 s20, $0xD;
	s25 =	sand.u32 $0x6000, s19;
	v32 =	vld [tilespmem:s24+$0xB0]  }
0xd6: {  	s25 =	sor.u32 $0x8E00, s25;
	s22 =	sshrl.u32 s31, $0x2;
	v30 =	vld [tilespmem:s24+$0xC0]  }
0xd7: {  	s26 =	sand.u32 $0x380, s19;
	s23 =	sshll.u32 s23, $0xC;
	v37 =	vld [tilespmem:s24+$0xD0];
	s28 =	sadd.s32 s22, s25;
	vm0 =	veq.s32 v47, $0x0  }
0xd8: {  	s23 =	sshrl.u32 s23, $0x2;
	v44 =	vld [tilespmem:s24+$0xE0];
	s29 =	sadd.s32 s26, s28;
	v49 =	vsel vm0, v23, v39;
	v51 =	vsel vm0, v24, v40;
	v48 =	vsel vm0, v33, v46  }
0xd9: {  	s28 =	sadd.s32 s23, s25;
	s25 =	simm.s32 $0x0;
	v47 =	vld [tilespmem:s24+$0xF0];
	s24 =	simm.s32 $0x400;
	v50 =	vsel vm0, v26, v41;
	v52 =	vsel vm0, v31, v45;
	[tilespmem:s29+$0x0] =	vst v49;
	v49 =	vsel vm0, v27, v43  }
.LBB2_8:
0xda: {  	p0 =	sne.s32 s24, $0x7C00;
	[tilespmem:s29+$0x10] =	vst v51;
	v51 =	vsel vm0, v18, v35;
	v53 =	vsel vm0, v21, v38;
	v54 =	vsel vm0, v28, v42;
	s25 =	sadd.s32 $0x80, s25;
	s21 =	sadd.s32 $0x10, s21  }
0xdb: {  	s30 =	smov.u32 s24;
	s24 =	sadd.s32 $0x400, s24;
	[tilespmem:s29+$0x70] =	vst v52  }
0xdc: {  	[tilespmem:s29+$0x20] =	vst v50  }
0xdd: {  	[tilespmem:s29+$0x60] =	vst v54  }
0xde: {  	[tilespmem:s29+$0x50] =	vst v53  }
0xdf: {  	[tilespmem:s29+$0x30] =	vst v49  }
0xe0: {  	s26 =	sadd.s32 s26, s28;
	v49 =	vsel vm0, v22, v36;
	[tilespmem:s29+$0x40] =	vst v51  }
0xe1: {  	[tilespmem:s26+$0x0] =	vst v49;
	v49 =	vsel vm0, v29, v47  }
0xe2: {  	v50 =	vsel vm0, v25, v44;
	[tilespmem:s26+$0x70] =	vst v49  }
0xe3: {  	v49 =	vsel vm0, v19, v34;
	[tilespmem:s26+$0x60] =	vst v50  }
0xe4: {  	[tilespmem:s26+$0x20] =	vst v49;
	v49 =	vsel vm0, v20, v37  }
0xe5: {  	v50 =	vsel vm0, v17, v32;
	[tilespmem:s26+$0x50] =	vst v49  }
0xe6: {  	v49 =	vsel vm0, v16, v30;
	[tilespmem:s26+$0x30] =	vst v50  }
0xe7: {  	[tilespmem:s26+$0x40] =	vst v49  }
0xe8: {  	[tilespmem:s26+$0x10] =	vst v48  }
0xe9: {  	v48 =	vld [tilespmem:s21+$0x0];
	_ =	sdelay $0x2  }
.Ltmp2:
0xea: {  	s26 =	sand.u32 $0x6000, s30;
	(pc) =	sbr.rel @p0 .LBB2_8-.Ltmp2, $4  }
0xeb: {  	s28 =	sor.u32 $0x8E00, s26  }
0xec: {  	s26 =	sand.u32 $0x380, s25;
	s29 =	sadd.s32 s22, s28;
	s28 =	sadd.s32 s23, s28;
	vm0 =	veq.s32 v48, $0x0  }
0xed: {  	s29 =	sadd.s32 s26, s29;
	v49 =	vsel vm0, v23, v39;
	v51 =	vsel vm0, v24, v40;
	v48 =	vsel vm0, v33, v46  }
0xee: {  	v50 =	vsel vm0, v26, v41;
	v52 =	vsel vm0, v31, v45;
	[tilespmem:s29+$0x0] =	vst v49;
	v49 =	vsel vm0, v27, v43  }
0xef: {  	[tilespmem:s29+$0x10] =	vst v51  }
0xf0: {  	[tilespmem:s29+$0x70] =	vst v52  }
0xf1: {  	[tilespmem:s29+$0x20] =	vst v50  }
0xf2: {  	v23 =	vsel vm0, v28, v42;
	[tilespmem:s29+$0x30] =	vst v49  }
0xf3: {  	v21 =	vsel vm0, v21, v38;
	[tilespmem:s29+$0x60] =	vst v23  }
0xf4: {  	v18 =	vsel vm0, v18, v35;
	[tilespmem:s29+$0x50] =	vst v21  }
0xf5: {  	v59 =	vsel vm0, v22, v36;
	s21 =	sadd.s32 s26, s28;
	[tilespmem:s29+$0x40] =	vst v18  }
0xf6: {  	v60 =	vsel vm0, v29, v47;
	[tilespmem:s21+$0x0] =	vst v59  }
0xf7: {  	v61 =	vsel vm0, v25, v44;
	s20 =	sadd.s32 $0x1, s20;
	[tilespmem:s21+$0x70] =	vst v60  }
0xf8: {  	v62 =	vsel vm0, v19, v34;
	p0 =	sne.s32 s20, $0x4;
	[tilespmem:s21+$0x60] =	vst v61  }
.Ltmp3:
0xf9: {  	v63 =	vsel vm0, v20, v37;
	[tilespmem:s21+$0x20] =	vst v62;
	(pc) =	sbr.rel @p0 .LBB2_7-.Ltmp3, $4  }
0xfa: {  	v17 =	vsel vm0, v17, v32;
	[tilespmem:s21+$0x50] =	vst v63  }
0xfb: {  	v16 =	vsel vm0, v16, v30;
	[tilespmem:s21+$0x30] =	vst v17  }
0xfc: {  	[tilespmem:s21+$0x40] =	vst v16  }
0xfd: {  	[tilespmem:s21+$0x10] =	vst v48  }
0xfe: {  	s17 =	sadd.s32 $0x1, s17  }
0xff: {  	p0 =	sne.s32 s17, $0x10  }
.Ltmp4:
0x100: {  	_ = 	snop;
	(pc) =	sbr.rel @p0 .LBB2_2-.Ltmp4, $4  }
0x101: {  	s18 =	sadd.s32 s5, s18  }
0x102: {  	s18 =	sshll.u32 s18, $0x7  }
0x103: {  	s18 =	sadd.s32 s2, s18  }
0x104: {  	[hbm4b:s18+s4] =	stream.linear.scatter [tilespmem:s13], [sflag:$0x2], $0x8000, $0x38;
	[tilespmem:$0x10E00] =	vst v63  }
0x105: {  	s16 =	sadd.s32 $0x1, s16  }
0x106: {  	_ =	swait.ge [sflag:s14], $0x8000;
	p0 =	sne.s32 s16, s7  }
.Ltmp5:
0x107: {  	[sflag:s14] =	ssyncset.done $0x0;
	(pc) =	sbr.rel @p0 .LBB2_1-.Ltmp5, $4  }
0x108: {  	[sflag:s14] =	ssyncadd.s32 $0xFFFF8000  }
0x109: {  	_ =	swait.ge [sflag:s15], $0x8000  }
0x10a: {  	[sflag:s15] =	ssyncset.done $0x0  }
0x10b: {  	[sflag:s15] =	ssyncadd.s32 $0xFFFF8000  }
0x10c: {  	_ =	sfence.sel $0x180000  }
0x10d: {  	[bflag:$0x0] =	sbarrier.arrive $0xFFFF  }
0x10e: {  	p0 =	sne.s32 s3, $0x0;
	_ =	strace $0x90000047  }
0x10f: {  	s0 =	sadd.s32 @!p0 $0x100000, s0;
	[bflag:$0x2] =	sbarrier.arrive $0xFFFF  }
0x110: {  	[sflag:s0] =	ssyncadd.tile.s32 @!p0 $0x1;
	_ =	shalt  }
.Lfunc_end2:
_tile_overlayer_lowered:
.L_overlay_start_2:
0x111: {  	(tag) =	ssettag $0x2  }
0x112: {  	s0 =	rddreg [dreg:$0x0];
	s2 =	stileid.u32  }
0x113: {  	s1 =	rddreg [dreg:$0x1];
	p0 =	sne.s32 s2, $0x0  }
0x114: {  	s3 =	rddreg [dreg:$0x2];
	[bflag:$0x3] =	sbarrier.arrive $0xFFFF;
	s2 =	simm.s32 @!p0 $0x1C04  }
0x115: {  	[timem:s3], [sflag:s2] =	dma.local @!p0 [hbm:s0], s1  }
0x116: {  	s0 =	simm.s32 @!p0 $0x4  }
0x117: {  	_ =	swait.ge @!p0 [sflag:s0], s1  }
0x118: {  	s1 =	ssub.s32 @!p0 $0x0, s1;
	[sflag:s0] =	ssyncset.done @!p0 $0x0  }
0x119: {  	[sflag:s0] =	ssyncadd.s32 @!p0 s1  }
0x11a: {  	[bflag:$0x3] =	sbarrier.arrive $0xFFFF  }
0x11b: {  	_ =	shalt  }

</sc_bundles>
